<compile_context>
chip_gen: v7x
topology: tpu7x:2x2x1
jax: 0.10.2.dev20260603
libtpu: 0.0.44.dev20260713+nightly
codegen_flags: <defaults>
</compile_context>

<pallas_src>
import functools

import jax
import jax.numpy as jnp
from jax import lax
from jax.experimental import pallas as pl
from jax.experimental.pallas import tpu as pltpu
from jax.experimental.pallas import tpu_sc as plsc

B, L, D = 4096, 50, 64
NC, NS, LANES = 2, 16, 16
NW = NC * NS
BPW = B // NW
KJ = 4
ROWS = KJ * BPW
NB = 3
_ROUNDS = [(r * ROWS, ROWS) for r in range(12)] + [(12 * ROWS, 2 * BPW)]

_mesh = plsc.VectorSubcoreMesh(core_axis_name="c", subcore_axis_name="s")


@functools.partial(
    pl.kernel,
    out_type=jax.ShapeDtypeStruct((B, D), jnp.float32),
    mesh=_mesh,
    scratch_types=[
        pltpu.VMEM((L * BPW,), jnp.int32),
        pltpu.VMEM((ROWS, D), jnp.float32),
        pltpu.VMEM((ROWS, D), jnp.float32),
        pltpu.VMEM((ROWS, D), jnp.float32),
        pltpu.VMEM((ROWS,), jnp.int32),
        pltpu.VMEM((2 * BPW,), jnp.int32),
        pltpu.VMEM_SHARED((NS * BPW, D), jnp.float32),
        pltpu.SemaphoreType.DMA,
        pltpu.SemaphoreType.DMA,
        pltpu.SemaphoreType.DMA,
        pltpu.SemaphoreType.DMA,
        pltpu.SemaphoreType.DMA,
        pltpu.SemaphoreType.DMA,
    ],
    compiler_params=pltpu.CompilerParams(use_tc_tiling_on_sc=False),
)
def _feature_sc(xw_hbm, f_hbm, out_hbm, idx_v, buf_0, buf_1, buf_2,
                dst_v, dtl_v, acc_sh, sg_0, sg_1, sg_2, ss_0, ss_1, ss_2):
    c = lax.axis_index("c")
    s = lax.axis_index("s")
    wid = c * NS + s
    base = wid * BPW
    region = s * BPW

    pltpu.sync_copy(xw_hbm.at[pl.ds(wid * (L * BPW), L * BPW)], idx_v)

    for t in range(ROWS // LANES):
        col = (t * LANES) % BPW
        v16 = lax.iota(jnp.int32, LANES) + (region + col)
        dst_v[pl.ds(t * LANES, LANES)] = v16
        if t < (2 * BPW) // LANES:
            dtl_v[pl.ds(t * LANES, LANES)] = v16

    bufs = (buf_0, buf_1, buf_2)
    sg = (sg_0, sg_1, sg_2)
    ss = (ss_0, ss_1, ss_2)
    gathers = {}
    scatters = {}

    for r in range(2):
        off, n = _ROUNDS[r]
        gathers[r] = pltpu.async_copy(
            f_hbm.at[idx_v.at[pl.ds(off, n)]], bufs[r].at[pl.ds(0, n)], sg[r])

    def _zrow(i, carry):
        for k in range(D // LANES):
            buf_2[i, pl.ds(k * LANES, LANES)] = jnp.zeros((LANES,), jnp.float32)
        return carry

    lax.fori_loop(0, BPW, _zrow, 0)
    pltpu.sync_copy(buf_2.at[pl.ds(0, BPW)], acc_sh.at[pl.ds(region, BPW)])
    off, n = _ROUNDS[2]
    gathers[2] = pltpu.async_copy(
        f_hbm.at[idx_v.at[pl.ds(off, n)]], bufs[2].at[pl.ds(0, n)], sg[2])

    NT = len(_ROUNDS)
    for r in range(NT):
        off, n = _ROUNDS[r]
        pb = r % NB
        gathers[r].wait()
        dref = dst_v if n == ROWS else dtl_v
        scatters[r] = pltpu.async_copy(
            bufs[pb].at[pl.ds(0, n)], acc_sh.at[dref], ss[pb], add=True)
        nxt = r + NB
        if nxt < NT:
            scatters[r].wait()
            off2, n2 = _ROUNDS[nxt]
            gathers[nxt] = pltpu.async_copy(
                f_hbm.at[idx_v.at[pl.ds(off2, n2)]],
                bufs[pb].at[pl.ds(0, n2)], sg[pb])
    for r in range(NT - NB, NT):
        scatters[r].wait()

    pltpu.sync_copy(acc_sh.at[pl.ds(region, BPW)], out_hbm.at[pl.ds(base, BPW)])


def kernel(x, F):
    xw = (x.astype(jnp.int32)
          .reshape(NW, BPW, L)
          .transpose(0, 2, 1)
          .reshape(NW * L * BPW))
    return _feature_sc(xw, F)

# --- scband reference (transcript-rebuilt; emitter-appended) ---
"""Pipeline reference for scband-feature-20968030339143 (READ-ONLY COPY).

The authoritative reference and input builder live on the scoring server;
editing this copy changes nothing except your own understanding.
"""

import jax, jax.numpy as jnp
import numpy as np


def setup_inputs(seed: int = 0) -> dict:
    key = jax.random.key(seed)
    k1, k2 = jax.random.split(key)
    x = jax.random.randint(k1, (4096, 50), 0, 100000, dtype=jnp.int64)
    # embedding table initialized uniform(-0.01, 0.01) per random_uniform_custom
    F = jax.random.uniform(k2, (100000, 64), dtype=jnp.float32, minval=-0.01, maxval=0.01)
    return {"x": x, "F": F}


def reference(x, F):
    # tf.nn.embedding_lookup(F, x) -> gather rows
    f_rep = jnp.take(F, x, axis=0)  # [B, L, D]
    # tf.reduce_sum over axis 1 (hist/bag dimension)
    f_rep = jnp.sum(f_rep, axis=1)  # [B, D]
    # K.in_train_phase(dropout, identity): inference phase -> identity
    return f_rep

if __name__ == "__main__":
    import jax
    _d = setup_inputs()
    print(jax.jit(kernel)(*tuple(_d.values())))

</pallas_src>

<mosaic_0001>
#map = affine_map<(d0, d1) -> (0)>
#map1 = affine_map<(d0, d1) -> (0, 0)>
module attributes {stable_mosaic.version = 14 : i64} {
  func.func @_feature_sc(%arg0: i32, %arg1: i32, %arg2: memref<204800xi32, #tpu.memory_space<hbm>>, %arg3: memref<100000x64xf32, #tpu.memory_space<hbm>>, %arg4: memref<4096x64xf32, #tpu.memory_space<hbm>>, %arg5: memref<6400xi32, #tpu.memory_space<vmem>>, %arg6: memref<512x64xf32, #tpu.memory_space<vmem>>, %arg7: memref<512x64xf32, #tpu.memory_space<vmem>>, %arg8: memref<512x64xf32, #tpu.memory_space<vmem>>, %arg9: memref<512xi32, #tpu.memory_space<vmem>>, %arg10: memref<256xi32, #tpu.memory_space<vmem>>, %arg11: memref<2048x64xf32, #tpu.memory_space<vmem_shared>>, %arg12: memref<!tpu.dma_semaphore, #tpu.memory_space<semaphore_mem>>, %arg13: memref<!tpu.dma_semaphore, #tpu.memory_space<semaphore_mem>>, %arg14: memref<!tpu.dma_semaphore, #tpu.memory_space<semaphore_mem>>, %arg15: memref<!tpu.dma_semaphore, #tpu.memory_space<semaphore_mem>>, %arg16: memref<!tpu.dma_semaphore, #tpu.memory_space<semaphore_mem>>, %arg17: memref<!tpu.dma_semaphore, #tpu.memory_space<semaphore_mem>>) attributes {dimension_semantics = [#tpu.dimension_semantics<core_parallel>, #tpu.dimension_semantics<subcore_parallel>], iteration_bounds = array<i64: 2, 16>, scalar_prefetch = 0 : i64, scratch_operands = 13 : i64, tpu.core_type = #tpu.core_type<sc_vector_subcore>, window_params = [{transform_indices = #map}, {transform_indices = #map1}, {transform_indices = #map1}]} {
    %mul3A = arith.constant 16 : i32
    %mul3A_0 = arith.muli %arg0, %mul3A : i32
    %add3A = arith.addi %mul3A_0, %arg1 : i32
    %mul3A_1 = arith.constant 128 : i32
    %mul3A_2 = arith.muli %add3A, %mul3A_1 : i32
    %mul3A_3 = arith.constant 128 : i32
    %mul3A_4 = arith.muli %arg1, %mul3A_3 : i32
    %mul3A_5 = arith.constant 6400 : i32
    %mul3A_6 = arith.muli %add3A, %mul3A_5 : i32
    "tpu.region"() ({
      %run_scoped3A = tpu.sem_alloc : memref<!tpu.dma_semaphore, #tpu.memory_space<semaphore_mem>>
      %dma_start3A_724 = tpu.memref_slice %arg2[%mul3A_6] : memref<204800xi32, #tpu.memory_space<hbm>> -> memref<6400xi32, #tpu.memory_space<hbm>>
      %dma_start3A_725 = tpu.memref_slice %arg2[%mul3A_6] : memref<204800xi32, #tpu.memory_space<hbm>> -> memref<6400xi32, #tpu.memory_space<hbm>>
      tpu.enqueue_dma source(%dma_start3A_725 : memref<6400xi32, #tpu.memory_space<hbm>>) target(%arg5 : memref<6400xi32, #tpu.memory_space<vmem>>) target_semaphore(%run_scoped3A : memref<!tpu.dma_semaphore, #tpu.memory_space<semaphore_mem>>)
      %dma_wait3A_726 = tpu.memref_slice %arg2[%mul3A_6] : memref<204800xi32, #tpu.memory_space<hbm>> -> memref<6400xi32, #tpu.memory_space<hbm>>
      %dma_wait3A_727 = tpu.memref_slice %arg2[%mul3A_6] : memref<204800xi32, #tpu.memory_space<hbm>> -> memref<6400xi32, #tpu.memory_space<hbm>>
      tpu.wait_dma2 semaphore(%run_scoped3A : memref<!tpu.dma_semaphore, #tpu.memory_space<semaphore_mem>>) src(%dma_wait3A_727 : memref<6400xi32, #tpu.memory_space<hbm>>) dst(%arg5 : memref<6400xi32, #tpu.memory_space<vmem>>)
      tpu.yield
    }) : () -> ()
    %iota3A = tpu.iota {dimensions = array<i32: 0>} : vector<16xi32>
    %add3A_7 = arith.constant 0 : i32
    %add3A_8 = arith.addi %mul3A_4, %add3A_7 : i32
    %add3A_9 = vector.broadcast %add3A_8 : i32 to vector<16xi32>
    %add3A_10 = arith.addi %iota3A, %add3A_9 : vector<16xi32>
    %swap3A = arith.constant 0 : index
    %swap3A_11 = tpu.vector_load %arg9[%swap3A] {strides = array<i32>} : memref<512xi32, #tpu.memory_space<vmem>>, vector<16xi32>,
    %swap3A_12 = vector.shape_cast %swap3A_11 : vector<16xi32> to vector<16xi32>
    %swap3A_13 = vector.shape_cast %add3A_10 : vector<16xi32> to vector<16xi32>
    tpu.vector_store %arg9[%swap3A], %swap3A_13 {strides = array<i32>} : memref<512xi32, #tpu.memory_space<vmem>>, vector<16xi32>,
    %swap3A_14 = arith.constant 0 : index
    %swap3A_15 = tpu.vector_load %arg10[%swap3A_14] {strides = array<i32>} : memref<256xi32, #tpu.memory_space<vmem>>, vector<16xi32>,
    %swap3A_16 = vector.shape_cast %swap3A_15 : vector<16xi32> to vector<16xi32>
    %swap3A_17 = vector.shape_cast %add3A_10 : vector<16xi32> to vector<16xi32>
    tpu.vector_store %arg10[%swap3A_14], %swap3A_17 {strides = array<i32>} : memref<256xi32, #tpu.memory_space<vmem>>, vector<16xi32>,
    %iota3A_18 = tpu.iota {dimensions = array<i32: 0>} : vector<16xi32>
    %add3A_19 = arith.constant 16 : i32
    %add3A_20 = arith.addi %mul3A_4, %add3A_19 : i32
    %add3A_21 = vector.broadcast %add3A_20 : i32 to vector<16xi32>
    %add3A_22 = arith.addi %iota3A_18, %add3A_21 : vector<16xi32>
    %swap3A_23 = arith.constant 16 : index
    %swap3A_24 = tpu.vector_load %arg9[%swap3A_23] {strides = array<i32>} : memref<512xi32, #tpu.memory_space<vmem>>, vector<16xi32>,
    %swap3A_25 = vector.shape_cast %swap3A_24 : vector<16xi32> to vector<16xi32>
    %swap3A_26 = vector.shape_cast %add3A_22 : vector<16xi32> to vector<16xi32>
    tpu.vector_store %arg9[%swap3A_23], %swap3A_26 {strides = array<i32>} : memref<512xi32, #tpu.memory_space<vmem>>, vector<16xi32>,
    %swap3A_27 = arith.constant 16 : index
    %swap3A_28 = tpu.vector_load %arg10[%swap3A_27] {strides = array<i32>} : memref<256xi32, #tpu.memory_space<vmem>>, vector<16xi32>,
    %swap3A_29 = vector.shape_cast %swap3A_28 : vector<16xi32> to vector<16xi32>
    %swap3A_30 = vector.shape_cast %add3A_22 : vector<16xi32> to vector<16xi32>
    tpu.vector_store %arg10[%swap3A_27], %swap3A_30 {strides = array<i32>} : memref<256xi32, #tpu.memory_space<vmem>>, vector<16xi32>,
    %iota3A_31 = tpu.iota {dimensions = array<i32: 0>} : vector<16xi32>
    %add3A_32 = arith.constant 32 : i32
    %add3A_33 = arith.addi %mul3A_4, %add3A_32 : i32
    %add3A_34 = vector.broadcast %add3A_33 : i32 to vector<16xi32>
    %add3A_35 = arith.addi %iota3A_31, %add3A_34 : vector<16xi32>
    %swap3A_36 = arith.constant 32 : index
    %swap3A_37 = tpu.vector_load %arg9[%swap3A_36] {strides = array<i32>} : memref<512xi32, #tpu.memory_space<vmem>>, vector<16xi32>,
    %swap3A_38 = vector.shape_cast %swap3A_37 : vector<16xi32> to vector<16xi32>
    %swap3A_39 = vector.shape_cast %add3A_35 : vector<16xi32> to vector<16xi32>
    tpu.vector_store %arg9[%swap3A_36], %swap3A_39 {strides = array<i32>} : memref<512xi32, #tpu.memory_space<vmem>>, vector<16xi32>,
    %swap3A_40 = arith.constant 32 : index
    %swap3A_41 = tpu.vector_load %arg10[%swap3A_40] {strides = array<i32>} : memref<256xi32, #tpu.memory_space<vmem>>, vector<16xi32>,
    %swap3A_42 = vector.shape_cast %swap3A_41 : vector<16xi32> to vector<16xi32>
    %swap3A_43 = vector.shape_cast %add3A_35 : vector<16xi32> to vector<16xi32>
    tpu.vector_store %arg10[%swap3A_40], %swap3A_43 {strides = array<i32>} : memref<256xi32, #tpu.memory_space<vmem>>, vector<16xi32>,
    %iota3A_44 = tpu.iota {dimensions = array<i32: 0>} : vector<16xi32>
    %add3A_45 = arith.constant 48 : i32
    %add3A_46 = arith.addi %mul3A_4, %add3A_45 : i32
    %add3A_47 = vector.broadcast %add3A_46 : i32 to vector<16xi32>
    %add3A_48 = arith.addi %iota3A_44, %add3A_47 : vector<16xi32>
    %swap3A_49 = arith.constant 48 : index
    %swap3A_50 = tpu.vector_load %arg9[%swap3A_49] {strides = array<i32>} : memref<512xi32, #tpu.memory_space<vmem>>, vector<16xi32>,
    %swap3A_51 = vector.shape_cast %swap3A_50 : vector<16xi32> to vector<16xi32>
    %swap3A_52 = vector.shape_cast %add3A_48 : vector<16xi32> to vector<16xi32>
    tpu.vector_store %arg9[%swap3A_49], %swap3A_52 {strides = array<i32>} : memref<512xi32, #tpu.memory_space<vmem>>, vector<16xi32>,
    %swap3A_53 = arith.constant 48 : index
    %swap3A_54 = tpu.vector_load %arg10[%swap3A_53] {strides = array<i32>} : memref<256xi32, #tpu.memory_space<vmem>>, vector<16xi32>,
    %swap3A_55 = vector.shape_cast %swap3A_54 : vector<16xi32> to vector<16xi32>
    %swap3A_56 = vector.shape_cast %add3A_48 : vector<16xi32> to vector<16xi32>
    tpu.vector_store %arg10[%swap3A_53], %swap3A_56 {strides = array<i32>} : memref<256xi32, #tpu.memory_space<vmem>>, vector<16xi32>,
    %iota3A_57 = tpu.iota {dimensions = array<i32: 0>} : vector<16xi32>
    %add3A_58 = arith.constant 64 : i32
    %add3A_59 = arith.addi %mul3A_4, %add3A_58 : i32
    %add3A_60 = vector.broadcast %add3A_59 : i32 to vector<16xi32>
    %add3A_61 = arith.addi %iota3A_57, %add3A_60 : vector<16xi32>
    %swap3A_62 = arith.constant 64 : index
    %swap3A_63 = tpu.vector_load %arg9[%swap3A_62] {strides = array<i32>} : memref<512xi32, #tpu.memory_space<vmem>>, vector<16xi32>,
    %swap3A_64 = vector.shape_cast %swap3A_63 : vector<16xi32> to vector<16xi32>
    %swap3A_65 = vector.shape_cast %add3A_61 : vector<16xi32> to vector<16xi32>
    tpu.vector_store %arg9[%swap3A_62], %swap3A_65 {strides = array<i32>} : memref<512xi32, #tpu.memory_space<vmem>>, vector<16xi32>,
    %swap3A_66 = arith.constant 64 : index
    %swap3A_67 = tpu.vector_load %arg10[%swap3A_66] {strides = array<i32>} : memref<256xi32, #tpu.memory_space<vmem>>, vector<16xi32>,
    %swap3A_68 = vector.shape_cast %swap3A_67 : vector<16xi32> to vector<16xi32>
    %swap3A_69 = vector.shape_cast %add3A_61 : vector<16xi32> to vector<16xi32>
    tpu.vector_store %arg10[%swap3A_66], %swap3A_69 {strides = array<i32>} : memref<256xi32, #tpu.memory_space<vmem>>, vector<16xi32>,
    %iota3A_70 = tpu.iota {dimensions = array<i32: 0>} : vector<16xi32>
    %add3A_71 = arith.constant 80 : i32
    %add3A_72 = arith.addi %mul3A_4, %add3A_71 : i32
    %add3A_73 = vector.broadcast %add3A_72 : i32 to vector<16xi32>
    %add3A_74 = arith.addi %iota3A_70, %add3A_73 : vector<16xi32>
    %swap3A_75 = arith.constant 80 : index
    %swap3A_76 = tpu.vector_load %arg9[%swap3A_75] {strides = array<i32>} : memref<512xi32, #tpu.memory_space<vmem>>, vector<16xi32>,
    %swap3A_77 = vector.shape_cast %swap3A_76 : vector<16xi32> to vector<16xi32>
    %swap3A_78 = vector.shape_cast %add3A_74 : vector<16xi32> to vector<16xi32>
    tpu.vector_store %arg9[%swap3A_75], %swap3A_78 {strides = array<i32>} : memref<512xi32, #tpu.memory_space<vmem>>, vector<16xi32>,
    %swap3A_79 = arith.constant 80 : index
    %swap3A_80 = tpu.vector_load %arg10[%swap3A_79] {strides = array<i32>} : memref<256xi32, #tpu.memory_space<vmem>>, vector<16xi32>,
    %swap3A_81 = vector.shape_cast %swap3A_80 : vector<16xi32> to vector<16xi32>
    %swap3A_82 = vector.shape_cast %add3A_74 : vector<16xi32> to vector<16xi32>
    tpu.vector_store %arg10[%swap3A_79], %swap3A_82 {strides = array<i32>} : memref<256xi32, #tpu.memory_space<vmem>>, vector<16xi32>,
    %iota3A_83 = tpu.iota {dimensions = array<i32: 0>} : vector<16xi32>
    %add3A_84 = arith.constant 96 : i32
    %add3A_85 = arith.addi %mul3A_4, %add3A_84 : i32
    %add3A_86 = vector.broadcast %add3A_85 : i32 to vector<16xi32>
    %add3A_87 = arith.addi %iota3A_83, %add3A_86 : vector<16xi32>
    %swap3A_88 = arith.constant 96 : index
    %swap3A_89 = tpu.vector_load %arg9[%swap3A_88] {strides = array<i32>} : memref<512xi32, #tpu.memory_space<vmem>>, vector<16xi32>,
    %swap3A_90 = vector.shape_cast %swap3A_89 : vector<16xi32> to vector<16xi32>
    %swap3A_91 = vector.shape_cast %add3A_87 : vector<16xi32> to vector<16xi32>
    tpu.vector_store %arg9[%swap3A_88], %swap3A_91 {strides = array<i32>} : memref<512xi32, #tpu.memory_space<vmem>>, vector<16xi32>,
    %swap3A_92 = arith.constant 96 : index
    %swap3A_93 = tpu.vector_load %arg10[%swap3A_92] {strides = array<i32>} : memref<256xi32, #tpu.memory_space<vmem>>, vector<16xi32>,
    %swap3A_94 = vector.shape_cast %swap3A_93 : vector<16xi32> to vector<16xi32>
    %swap3A_95 = vector.shape_cast %add3A_87 : vector<16xi32> to vector<16xi32>
    tpu.vector_store %arg10[%swap3A_92], %swap3A_95 {strides = array<i32>} : memref<256xi32, #tpu.memory_space<vmem>>, vector<16xi32>,
    %iota3A_96 = tpu.iota {dimensions = array<i32: 0>} : vector<16xi32>
    %add3A_97 = arith.constant 112 : i32
    %add3A_98 = arith.addi %mul3A_4, %add3A_97 : i32
    %add3A_99 = vector.broadcast %add3A_98 : i32 to vector<16xi32>
    %add3A_100 = arith.addi %iota3A_96, %add3A_99 : vector<16xi32>
    %swap3A_101 = arith.constant 112 : index
    %swap3A_102 = tpu.vector_load %arg9[%swap3A_101] {strides = array<i32>} : memref<512xi32, #tpu.memory_space<vmem>>, vector<16xi32>,
    %swap3A_103 = vector.shape_cast %swap3A_102 : vector<16xi32> to vector<16xi32>
    %swap3A_104 = vector.shape_cast %add3A_100 : vector<16xi32> to vector<16xi32>
    tpu.vector_store %arg9[%swap3A_101], %swap3A_104 {strides = array<i32>} : memref<512xi32, #tpu.memory_space<vmem>>, vector<16xi32>,
    %swap3A_105 = arith.constant 112 : index
    %swap3A_106 = tpu.vector_load %arg10[%swap3A_105] {strides = array<i32>} : memref<256xi32, #tpu.memory_space<vmem>>, vector<16xi32>,
    %swap3A_107 = vector.shape_cast %swap3A_106 : vector<16xi32> to vector<16xi32>
    %swap3A_108 = vector.shape_cast %add3A_100 : vector<16xi32> to vector<16xi32>
    tpu.vector_store %arg10[%swap3A_105], %swap3A_108 {strides = array<i32>} : memref<256xi32, #tpu.memory_space<vmem>>, vector<16xi32>,
    %iota3A_109 = tpu.iota {dimensions = array<i32: 0>} : vector<16xi32>
    %add3A_110 = arith.constant 0 : i32
    %add3A_111 = arith.addi %mul3A_4, %add3A_110 : i32
    %add3A_112 = vector.broadcast %add3A_111 : i32 to vector<16xi32>
    %add3A_113 = arith.addi %iota3A_109, %add3A_112 : vector<16xi32>
    %swap3A_114 = arith.constant 128 : index
    %swap3A_115 = tpu.vector_load %arg9[%swap3A_114] {strides = array<i32>} : memref<512xi32, #tpu.memory_space<vmem>>, vector<16xi32>,
    %swap3A_116 = vector.shape_cast %swap3A_115 : vector<16xi32> to vector<16xi32>
    %swap3A_117 = vector.shape_cast %add3A_113 : vector<16xi32> to vector<16xi32>
    tpu.vector_store %arg9[%swap3A_114], %swap3A_117 {strides = array<i32>} : memref<512xi32, #tpu.memory_space<vmem>>, vector<16xi32>,
    %swap3A_118 = arith.constant 128 : index
    %swap3A_119 = tpu.vector_load %arg10[%swap3A_118] {strides = array<i32>} : memref<256xi32, #tpu.memory_space<vmem>>, vector<16xi32>,
    %swap3A_120 = vector.shape_cast %swap3A_119 : vector<16xi32> to vector<16xi32>
    %swap3A_121 = vector.shape_cast %add3A_113 : vector<16xi32> to vector<16xi32>
    tpu.vector_store %arg10[%swap3A_118], %swap3A_121 {strides = array<i32>} : memref<256xi32, #tpu.memory_space<vmem>>, vector<16xi32>,
    %iota3A_122 = tpu.iota {dimensions = array<i32: 0>} : vector<16xi32>
    %add3A_123 = arith.constant 16 : i32
    %add3A_124 = arith.addi %mul3A_4, %add3A_123 : i32
    %add3A_125 = vector.broadcast %add3A_124 : i32 to vector<16xi32>
    %add3A_126 = arith.addi %iota3A_122, %add3A_125 : vector<16xi32>
    %swap3A_127 = arith.constant 144 : index
    %swap3A_128 = tpu.vector_load %arg9[%swap3A_127] {strides = array<i32>} : memref<512xi32, #tpu.memory_space<vmem>>, vector<16xi32>,
    %swap3A_129 = vector.shape_cast %swap3A_128 : vector<16xi32> to vector<16xi32>
    %swap3A_130 = vector.shape_cast %add3A_126 : vector<16xi32> to vector<16xi32>
    tpu.vector_store %arg9[%swap3A_127], %swap3A_130 {strides = array<i32>} : memref<512xi32, #tpu.memory_space<vmem>>, vector<16xi32>,
    %swap3A_131 = arith.constant 144 : index
    %swap3A_132 = tpu.vector_load %arg10[%swap3A_131] {strides = array<i32>} : memref<256xi32, #tpu.memory_space<vmem>>, vector<16xi32>,
    %swap3A_133 = vector.shape_cast %swap3A_132 : vector<16xi32> to vector<16xi32>
    %swap3A_134 = vector.shape_cast %add3A_126 : vector<16xi32> to vector<16xi32>
    tpu.vector_store %arg10[%swap3A_131], %swap3A_134 {strides = array<i32>} : memref<256xi32, #tpu.memory_space<vmem>>, vector<16xi32>,
    %iota3A_135 = tpu.iota {dimensions = array<i32: 0>} : vector<16xi32>
    %add3A_136 = arith.constant 32 : i32
    %add3A_137 = arith.addi %mul3A_4, %add3A_136 : i32
    %add3A_138 = vector.broadcast %add3A_137 : i32 to vector<16xi32>
    %add3A_139 = arith.addi %iota3A_135, %add3A_138 : vector<16xi32>
    %swap3A_140 = arith.constant 160 : index
    %swap3A_141 = tpu.vector_load %arg9[%swap3A_140] {strides = array<i32>} : memref<512xi32, #tpu.memory_space<vmem>>, vector<16xi32>,
    %swap3A_142 = vector.shape_cast %swap3A_141 : vector<16xi32> to vector<16xi32>
    %swap3A_143 = vector.shape_cast %add3A_139 : vector<16xi32> to vector<16xi32>
    tpu.vector_store %arg9[%swap3A_140], %swap3A_143 {strides = array<i32>} : memref<512xi32, #tpu.memory_space<vmem>>, vector<16xi32>,
    %swap3A_144 = arith.constant 160 : index
    %swap3A_145 = tpu.vector_load %arg10[%swap3A_144] {strides = array<i32>} : memref<256xi32, #tpu.memory_space<vmem>>, vector<16xi32>,
    %swap3A_146 = vector.shape_cast %swap3A_145 : vector<16xi32> to vector<16xi32>
    %swap3A_147 = vector.shape_cast %add3A_139 : vector<16xi32> to vector<16xi32>
    tpu.vector_store %arg10[%swap3A_144], %swap3A_147 {strides = array<i32>} : memref<256xi32, #tpu.memory_space<vmem>>, vector<16xi32>,
    %iota3A_148 = tpu.iota {dimensions = array<i32: 0>} : vector<16xi32>
    %add3A_149 = arith.constant 48 : i32
    %add3A_150 = arith.addi %mul3A_4, %add3A_149 : i32
    %add3A_151 = vector.broadcast %add3A_150 : i32 to vector<16xi32>
    %add3A_152 = arith.addi %iota3A_148, %add3A_151 : vector<16xi32>
    %swap3A_153 = arith.constant 176 : index
    %swap3A_154 = tpu.vector_load %arg9[%swap3A_153] {strides = array<i32>} : memref<512xi32, #tpu.memory_space<vmem>>, vector<16xi32>,
    %swap3A_155 = vector.shape_cast %swap3A_154 : vector<16xi32> to vector<16xi32>
    %swap3A_156 = vector.shape_cast %add3A_152 : vector<16xi32> to vector<16xi32>
    tpu.vector_store %arg9[%swap3A_153], %swap3A_156 {strides = array<i32>} : memref<512xi32, #tpu.memory_space<vmem>>, vector<16xi32>,
    %swap3A_157 = arith.constant 176 : index
    %swap3A_158 = tpu.vector_load %arg10[%swap3A_157] {strides = array<i32>} : memref<256xi32, #tpu.memory_space<vmem>>, vector<16xi32>,
    %swap3A_159 = vector.shape_cast %swap3A_158 : vector<16xi32> to vector<16xi32>
    %swap3A_160 = vector.shape_cast %add3A_152 : vector<16xi32> to vector<16xi32>
    tpu.vector_store %arg10[%swap3A_157], %swap3A_160 {strides = array<i32>} : memref<256xi32, #tpu.memory_space<vmem>>, vector<16xi32>,
    %iota3A_161 = tpu.iota {dimensions = array<i32: 0>} : vector<16xi32>
    %add3A_162 = arith.constant 64 : i32
    %add3A_163 = arith.addi %mul3A_4, %add3A_162 : i32
    %add3A_164 = vector.broadcast %add3A_163 : i32 to vector<16xi32>
    %add3A_165 = arith.addi %iota3A_161, %add3A_164 : vector<16xi32>
    %swap3A_166 = arith.constant 192 : index
    %swap3A_167 = tpu.vector_load %arg9[%swap3A_166] {strides = array<i32>} : memref<512xi32, #tpu.memory_space<vmem>>, vector<16xi32>,
    %swap3A_168 = vector.shape_cast %swap3A_167 : vector<16xi32> to vector<16xi32>
    %swap3A_169 = vector.shape_cast %add3A_165 : vector<16xi32> to vector<16xi32>
    tpu.vector_store %arg9[%swap3A_166], %swap3A_169 {strides = array<i32>} : memref<512xi32, #tpu.memory_space<vmem>>, vector<16xi32>,
    %swap3A_170 = arith.constant 192 : index
    %swap3A_171 = tpu.vector_load %arg10[%swap3A_170] {strides = array<i32>} : memref<256xi32, #tpu.memory_space<vmem>>, vector<16xi32>,
    %swap3A_172 = vector.shape_cast %swap3A_171 : vector<16xi32> to vector<16xi32>
    %swap3A_173 = vector.shape_cast %add3A_165 : vector<16xi32> to vector<16xi32>
    tpu.vector_store %arg10[%swap3A_170], %swap3A_173 {strides = array<i32>} : memref<256xi32, #tpu.memory_space<vmem>>, vector<16xi32>,
    %iota3A_174 = tpu.iota {dimensions = array<i32: 0>} : vector<16xi32>
    %add3A_175 = arith.constant 80 : i32
    %add3A_176 = arith.addi %mul3A_4, %add3A_175 : i32
    %add3A_177 = vector.broadcast %add3A_176 : i32 to vector<16xi32>
    %add3A_178 = arith.addi %iota3A_174, %add3A_177 : vector<16xi32>
    %swap3A_179 = arith.constant 208 : index
    %swap3A_180 = tpu.vector_load %arg9[%swap3A_179] {strides = array<i32>} : memref<512xi32, #tpu.memory_space<vmem>>, vector<16xi32>,
    %swap3A_181 = vector.shape_cast %swap3A_180 : vector<16xi32> to vector<16xi32>
    %swap3A_182 = vector.shape_cast %add3A_178 : vector<16xi32> to vector<16xi32>
    tpu.vector_store %arg9[%swap3A_179], %swap3A_182 {strides = array<i32>} : memref<512xi32, #tpu.memory_space<vmem>>, vector<16xi32>,
    %swap3A_183 = arith.constant 208 : index
    %swap3A_184 = tpu.vector_load %arg10[%swap3A_183] {strides = array<i32>} : memref<256xi32, #tpu.memory_space<vmem>>, vector<16xi32>,
    %swap3A_185 = vector.shape_cast %swap3A_184 : vector<16xi32> to vector<16xi32>
    %swap3A_186 = vector.shape_cast %add3A_178 : vector<16xi32> to vector<16xi32>
    tpu.vector_store %arg10[%swap3A_183], %swap3A_186 {strides = array<i32>} : memref<256xi32, #tpu.memory_space<vmem>>, vector<16xi32>,
    %iota3A_187 = tpu.iota {dimensions = array<i32: 0>} : vector<16xi32>
    %add3A_188 = arith.constant 96 : i32
    %add3A_189 = arith.addi %mul3A_4, %add3A_188 : i32
    %add3A_190 = vector.broadcast %add3A_189 : i32 to vector<16xi32>
    %add3A_191 = arith.addi %iota3A_187, %add3A_190 : vector<16xi32>
    %swap3A_192 = arith.constant 224 : index
    %swap3A_193 = tpu.vector_load %arg9[%swap3A_192] {strides = array<i32>} : memref<512xi32, #tpu.memory_space<vmem>>, vector<16xi32>,
    %swap3A_194 = vector.shape_cast %swap3A_193 : vector<16xi32> to vector<16xi32>
    %swap3A_195 = vector.shape_cast %add3A_191 : vector<16xi32> to vector<16xi32>
    tpu.vector_store %arg9[%swap3A_192], %swap3A_195 {strides = array<i32>} : memref<512xi32, #tpu.memory_space<vmem>>, vector<16xi32>,
    %swap3A_196 = arith.constant 224 : index
    %swap3A_197 = tpu.vector_load %arg10[%swap3A_196] {strides = array<i32>} : memref<256xi32, #tpu.memory_space<vmem>>, vector<16xi32>,
    %swap3A_198 = vector.shape_cast %swap3A_197 : vector<16xi32> to vector<16xi32>
    %swap3A_199 = vector.shape_cast %add3A_191 : vector<16xi32> to vector<16xi32>
    tpu.vector_store %arg10[%swap3A_196], %swap3A_199 {strides = array<i32>} : memref<256xi32, #tpu.memory_space<vmem>>, vector<16xi32>,
    %iota3A_200 = tpu.iota {dimensions = array<i32: 0>} : vector<16xi32>
    %add3A_201 = arith.constant 112 : i32
    %add3A_202 = arith.addi %mul3A_4, %add3A_201 : i32
    %add3A_203 = vector.broadcast %add3A_202 : i32 to vector<16xi32>
    %add3A_204 = arith.addi %iota3A_200, %add3A_203 : vector<16xi32>
    %swap3A_205 = arith.constant 240 : index
    %swap3A_206 = tpu.vector_load %arg9[%swap3A_205] {strides = array<i32>} : memref<512xi32, #tpu.memory_space<vmem>>, vector<16xi32>,
    %swap3A_207 = vector.shape_cast %swap3A_206 : vector<16xi32> to vector<16xi32>
    %swap3A_208 = vector.shape_cast %add3A_204 : vector<16xi32> to vector<16xi32>
    tpu.vector_store %arg9[%swap3A_205], %swap3A_208 {strides = array<i32>} : memref<512xi32, #tpu.memory_space<vmem>>, vector<16xi32>,
    %swap3A_209 = arith.constant 240 : index
    %swap3A_210 = tpu.vector_load %arg10[%swap3A_209] {strides = array<i32>} : memref<256xi32, #tpu.memory_space<vmem>>, vector<16xi32>,
    %swap3A_211 = vector.shape_cast %swap3A_210 : vector<16xi32> to vector<16xi32>
    %swap3A_212 = vector.shape_cast %add3A_204 : vector<16xi32> to vector<16xi32>
    tpu.vector_store %arg10[%swap3A_209], %swap3A_212 {strides = array<i32>} : memref<256xi32, #tpu.memory_space<vmem>>, vector<16xi32>,
    %iota3A_213 = tpu.iota {dimensions = array<i32: 0>} : vector<16xi32>
    %add3A_214 = arith.constant 0 : i32
    %add3A_215 = arith.addi %mul3A_4, %add3A_214 : i32
    %add3A_216 = vector.broadcast %add3A_215 : i32 to vector<16xi32>
    %add3A_217 = arith.addi %iota3A_213, %add3A_216 : vector<16xi32>
    %swap3A_218 = arith.constant 256 : index
    %swap3A_219 = tpu.vector_load %arg9[%swap3A_218] {strides = array<i32>} : memref<512xi32, #tpu.memory_space<vmem>>, vector<16xi32>,
    %swap3A_220 = vector.shape_cast %swap3A_219 : vector<16xi32> to vector<16xi32>
    %swap3A_221 = vector.shape_cast %add3A_217 : vector<16xi32> to vector<16xi32>
    tpu.vector_store %arg9[%swap3A_218], %swap3A_221 {strides = array<i32>} : memref<512xi32, #tpu.memory_space<vmem>>, vector<16xi32>,
    %iota3A_222 = tpu.iota {dimensions = array<i32: 0>} : vector<16xi32>
    %add3A_223 = arith.constant 16 : i32
    %add3A_224 = arith.addi %mul3A_4, %add3A_223 : i32
    %add3A_225 = vector.broadcast %add3A_224 : i32 to vector<16xi32>
    %add3A_226 = arith.addi %iota3A_222, %add3A_225 : vector<16xi32>
    %swap3A_227 = arith.constant 272 : index
    %swap3A_228 = tpu.vector_load %arg9[%swap3A_227] {strides = array<i32>} : memref<512xi32, #tpu.memory_space<vmem>>, vector<16xi32>,
    %swap3A_229 = vector.shape_cast %swap3A_228 : vector<16xi32> to vector<16xi32>
    %swap3A_230 = vector.shape_cast %add3A_226 : vector<16xi32> to vector<16xi32>
    tpu.vector_store %arg9[%swap3A_227], %swap3A_230 {strides = array<i32>} : memref<512xi32, #tpu.memory_space<vmem>>, vector<16xi32>,
    %iota3A_231 = tpu.iota {dimensions = array<i32: 0>} : vector<16xi32>
    %add3A_232 = arith.constant 32 : i32
    %add3A_233 = arith.addi %mul3A_4, %add3A_232 : i32
    %add3A_234 = vector.broadcast %add3A_233 : i32 to vector<16xi32>
    %add3A_235 = arith.addi %iota3A_231, %add3A_234 : vector<16xi32>
    %swap3A_236 = arith.constant 288 : index
    %swap3A_237 = tpu.vector_load %arg9[%swap3A_236] {strides = array<i32>} : memref<512xi32, #tpu.memory_space<vmem>>, vector<16xi32>,
    %swap3A_238 = vector.shape_cast %swap3A_237 : vector<16xi32> to vector<16xi32>
    %swap3A_239 = vector.shape_cast %add3A_235 : vector<16xi32> to vector<16xi32>
    tpu.vector_store %arg9[%swap3A_236], %swap3A_239 {strides = array<i32>} : memref<512xi32, #tpu.memory_space<vmem>>, vector<16xi32>,
    %iota3A_240 = tpu.iota {dimensions = array<i32: 0>} : vector<16xi32>
    %add3A_241 = arith.constant 48 : i32
    %add3A_242 = arith.addi %mul3A_4, %add3A_241 : i32
    %add3A_243 = vector.broadcast %add3A_242 : i32 to vector<16xi32>
    %add3A_244 = arith.addi %iota3A_240, %add3A_243 : vector<16xi32>
    %swap3A_245 = arith.constant 304 : index
    %swap3A_246 = tpu.vector_load %arg9[%swap3A_245] {strides = array<i32>} : memref<512xi32, #tpu.memory_space<vmem>>, vector<16xi32>,
    %swap3A_247 = vector.shape_cast %swap3A_246 : vector<16xi32> to vector<16xi32>
    %swap3A_248 = vector.shape_cast %add3A_244 : vector<16xi32> to vector<16xi32>
    tpu.vector_store %arg9[%swap3A_245], %swap3A_248 {strides = array<i32>} : memref<512xi32, #tpu.memory_space<vmem>>, vector<16xi32>,
    %iota3A_249 = tpu.iota {dimensions = array<i32: 0>} : vector<16xi32>
    %add3A_250 = arith.constant 64 : i32
    %add3A_251 = arith.addi %mul3A_4, %add3A_250 : i32
    %add3A_252 = vector.broadcast %add3A_251 : i32 to vector<16xi32>
    %add3A_253 = arith.addi %iota3A_249, %add3A_252 : vector<16xi32>
    %swap3A_254 = arith.constant 320 : index
    %swap3A_255 = tpu.vector_load %arg9[%swap3A_254] {strides = array<i32>} : memref<512xi32, #tpu.memory_space<vmem>>, vector<16xi32>,
    %swap3A_256 = vector.shape_cast %swap3A_255 : vector<16xi32> to vector<16xi32>
    %swap3A_257 = vector.shape_cast %add3A_253 : vector<16xi32> to vector<16xi32>
    tpu.vector_store %arg9[%swap3A_254], %swap3A_257 {strides = array<i32>} : memref<512xi32, #tpu.memory_space<vmem>>, vector<16xi32>,
    %iota3A_258 = tpu.iota {dimensions = array<i32: 0>} : vector<16xi32>
    %add3A_259 = arith.constant 80 : i32
    %add3A_260 = arith.addi %mul3A_4, %add3A_259 : i32
    %add3A_261 = vector.broadcast %add3A_260 : i32 to vector<16xi32>
    %add3A_262 = arith.addi %iota3A_258, %add3A_261 : vector<16xi32>
    %swap3A_263 = arith.constant 336 : index
    %swap3A_264 = tpu.vector_load %arg9[%swap3A_263] {strides = array<i32>} : memref<512xi32, #tpu.memory_space<vmem>>, vector<16xi32>,
    %swap3A_265 = vector.shape_cast %swap3A_264 : vector<16xi32> to vector<16xi32>
    %swap3A_266 = vector.shape_cast %add3A_262 : vector<16xi32> to vector<16xi32>
    tpu.vector_store %arg9[%swap3A_263], %swap3A_266 {strides = array<i32>} : memref<512xi32, #tpu.memory_space<vmem>>, vector<16xi32>,
    %iota3A_267 = tpu.iota {dimensions = array<i32: 0>} : vector<16xi32>
    %add3A_268 = arith.constant 96 : i32
    %add3A_269 = arith.addi %mul3A_4, %add3A_268 : i32
    %add3A_270 = vector.broadcast %add3A_269 : i32 to vector<16xi32>
    %add3A_271 = arith.addi %iota3A_267, %add3A_270 : vector<16xi32>
    %swap3A_272 = arith.constant 352 : index
    %swap3A_273 = tpu.vector_load %arg9[%swap3A_272] {strides = array<i32>} : memref<512xi32, #tpu.memory_space<vmem>>, vector<16xi32>,
    %swap3A_274 = vector.shape_cast %swap3A_273 : vector<16xi32> to vector<16xi32>
    %swap3A_275 = vector.shape_cast %add3A_271 : vector<16xi32> to vector<16xi32>
    tpu.vector_store %arg9[%swap3A_272], %swap3A_275 {strides = array<i32>} : memref<512xi32, #tpu.memory_space<vmem>>, vector<16xi32>,
    %iota3A_276 = tpu.iota {dimensions = array<i32: 0>} : vector<16xi32>
    %add3A_277 = arith.constant 112 : i32
    %add3A_278 = arith.addi %mul3A_4, %add3A_277 : i32
    %add3A_279 = vector.broadcast %add3A_278 : i32 to vector<16xi32>
    %add3A_280 = arith.addi %iota3A_276, %add3A_279 : vector<16xi32>
    %swap3A_281 = arith.constant 368 : index
    %swap3A_282 = tpu.vector_load %arg9[%swap3A_281] {strides = array<i32>} : memref<512xi32, #tpu.memory_space<vmem>>, vector<16xi32>,
    %swap3A_283 = vector.shape_cast %swap3A_282 : vector<16xi32> to vector<16xi32>
    %swap3A_284 = vector.shape_cast %add3A_280 : vector<16xi32> to vector<16xi32>
    tpu.vector_store %arg9[%swap3A_281], %swap3A_284 {strides = array<i32>} : memref<512xi32, #tpu.memory_space<vmem>>, vector<16xi32>,
    %iota3A_285 = tpu.iota {dimensions = array<i32: 0>} : vector<16xi32>
    %add3A_286 = arith.constant 0 : i32
    %add3A_287 = arith.addi %mul3A_4, %add3A_286 : i32
    %add3A_288 = vector.broadcast %add3A_287 : i32 to vector<16xi32>
    %add3A_289 = arith.addi %iota3A_285, %add3A_288 : vector<16xi32>
    %swap3A_290 = arith.constant 384 : index
    %swap3A_291 = tpu.vector_load %arg9[%swap3A_290] {strides = array<i32>} : memref<512xi32, #tpu.memory_space<vmem>>, vector<16xi32>,
    %swap3A_292 = vector.shape_cast %swap3A_291 : vector<16xi32> to vector<16xi32>
    %swap3A_293 = vector.shape_cast %add3A_289 : vector<16xi32> to vector<16xi32>
    tpu.vector_store %arg9[%swap3A_290], %swap3A_293 {strides = array<i32>} : memref<512xi32, #tpu.memory_space<vmem>>, vector<16xi32>,
    %iota3A_294 = tpu.iota {dimensions = array<i32: 0>} : vector<16xi32>
    %add3A_295 = arith.constant 16 : i32
    %add3A_296 = arith.addi %mul3A_4, %add3A_295 : i32
    %add3A_297 = vector.broadcast %add3A_296 : i32 to vector<16xi32>
    %add3A_298 = arith.addi %iota3A_294, %add3A_297 : vector<16xi32>
    %swap3A_299 = arith.constant 400 : index
    %swap3A_300 = tpu.vector_load %arg9[%swap3A_299] {strides = array<i32>} : memref<512xi32, #tpu.memory_space<vmem>>, vector<16xi32>,
    %swap3A_301 = vector.shape_cast %swap3A_300 : vector<16xi32> to vector<16xi32>
    %swap3A_302 = vector.shape_cast %add3A_298 : vector<16xi32> to vector<16xi32>
    tpu.vector_store %arg9[%swap3A_299], %swap3A_302 {strides = array<i32>} : memref<512xi32, #tpu.memory_space<vmem>>, vector<16xi32>,
    %iota3A_303 = tpu.iota {dimensions = array<i32: 0>} : vector<16xi32>
    %add3A_304 = arith.constant 32 : i32
    %add3A_305 = arith.addi %mul3A_4, %add3A_304 : i32
    %add3A_306 = vector.broadcast %add3A_305 : i32 to vector<16xi32>
    %add3A_307 = arith.addi %iota3A_303, %add3A_306 : vector<16xi32>
    %swap3A_308 = arith.constant 416 : index
    %swap3A_309 = tpu.vector_load %arg9[%swap3A_308] {strides = array<i32>} : memref<512xi32, #tpu.memory_space<vmem>>, vector<16xi32>,
    %swap3A_310 = vector.shape_cast %swap3A_309 : vector<16xi32> to vector<16xi32>
    %swap3A_311 = vector.shape_cast %add3A_307 : vector<16xi32> to vector<16xi32>
    tpu.vector_store %arg9[%swap3A_308], %swap3A_311 {strides = array<i32>} : memref<512xi32, #tpu.memory_space<vmem>>, vector<16xi32>,
    %iota3A_312 = tpu.iota {dimensions = array<i32: 0>} : vector<16xi32>
    %add3A_313 = arith.constant 48 : i32
    %add3A_314 = arith.addi %mul3A_4, %add3A_313 : i32
    %add3A_315 = vector.broadcast %add3A_314 : i32 to vector<16xi32>
    %add3A_316 = arith.addi %iota3A_312, %add3A_315 : vector<16xi32>
    %swap3A_317 = arith.constant 432 : index
    %swap3A_318 = tpu.vector_load %arg9[%swap3A_317] {strides = array<i32>} : memref<512xi32, #tpu.memory_space<vmem>>, vector<16xi32>,
    %swap3A_319 = vector.shape_cast %swap3A_318 : vector<16xi32> to vector<16xi32>
    %swap3A_320 = vector.shape_cast %add3A_316 : vector<16xi32> to vector<16xi32>
    tpu.vector_store %arg9[%swap3A_317], %swap3A_320 {strides = array<i32>} : memref<512xi32, #tpu.memory_space<vmem>>, vector<16xi32>,
    %iota3A_321 = tpu.iota {dimensions = array<i32: 0>} : vector<16xi32>
    %add3A_322 = arith.constant 64 : i32
    %add3A_323 = arith.addi %mul3A_4, %add3A_322 : i32
    %add3A_324 = vector.broadcast %add3A_323 : i32 to vector<16xi32>
    %add3A_325 = arith.addi %iota3A_321, %add3A_324 : vector<16xi32>
    %swap3A_326 = arith.constant 448 : index
    %swap3A_327 = tpu.vector_load %arg9[%swap3A_326] {strides = array<i32>} : memref<512xi32, #tpu.memory_space<vmem>>, vector<16xi32>,
    %swap3A_328 = vector.shape_cast %swap3A_327 : vector<16xi32> to vector<16xi32>
    %swap3A_329 = vector.shape_cast %add3A_325 : vector<16xi32> to vector<16xi32>
    tpu.vector_store %arg9[%swap3A_326], %swap3A_329 {strides = array<i32>} : memref<512xi32, #tpu.memory_space<vmem>>, vector<16xi32>,
    %iota3A_330 = tpu.iota {dimensions = array<i32: 0>} : vector<16xi32>
    %add3A_331 = arith.constant 80 : i32
    %add3A_332 = arith.addi %mul3A_4, %add3A_331 : i32
    %add3A_333 = vector.broadcast %add3A_332 : i32 to vector<16xi32>
    %add3A_334 = arith.addi %iota3A_330, %add3A_333 : vector<16xi32>
    %swap3A_335 = arith.constant 464 : index
    %swap3A_336 = tpu.vector_load %arg9[%swap3A_335] {strides = array<i32>} : memref<512xi32, #tpu.memory_space<vmem>>, vector<16xi32>,
    %swap3A_337 = vector.shape_cast %swap3A_336 : vector<16xi32> to vector<16xi32>
    %swap3A_338 = vector.shape_cast %add3A_334 : vector<16xi32> to vector<16xi32>
    tpu.vector_store %arg9[%swap3A_335], %swap3A_338 {strides = array<i32>} : memref<512xi32, #tpu.memory_space<vmem>>, vector<16xi32>,
    %iota3A_339 = tpu.iota {dimensions = array<i32: 0>} : vector<16xi32>
    %add3A_340 = arith.constant 96 : i32
    %add3A_341 = arith.addi %mul3A_4, %add3A_340 : i32
    %add3A_342 = vector.broadcast %add3A_341 : i32 to vector<16xi32>
    %add3A_343 = arith.addi %iota3A_339, %add3A_342 : vector<16xi32>
    %swap3A_344 = arith.constant 480 : index
    %swap3A_345 = tpu.vector_load %arg9[%swap3A_344] {strides = array<i32>} : memref<512xi32, #tpu.memory_space<vmem>>, vector<16xi32>,
    %swap3A_346 = vector.shape_cast %swap3A_345 : vector<16xi32> to vector<16xi32>
    %swap3A_347 = vector.shape_cast %add3A_343 : vector<16xi32> to vector<16xi32>
    tpu.vector_store %arg9[%swap3A_344], %swap3A_347 {strides = array<i32>} : memref<512xi32, #tpu.memory_space<vmem>>, vector<16xi32>,
    %iota3A_348 = tpu.iota {dimensions = array<i32: 0>} : vector<16xi32>
    %add3A_349 = arith.constant 112 : i32
    %add3A_350 = arith.addi %mul3A_4, %add3A_349 : i32
    %add3A_351 = vector.broadcast %add3A_350 : i32 to vector<16xi32>
    %add3A_352 = arith.addi %iota3A_348, %add3A_351 : vector<16xi32>
    %swap3A_353 = arith.constant 496 : index
    %swap3A_354 = tpu.vector_load %arg9[%swap3A_353] {strides = array<i32>} : memref<512xi32, #tpu.memory_space<vmem>>, vector<16xi32>,
    %swap3A_355 = vector.shape_cast %swap3A_354 : vector<16xi32> to vector<16xi32>
    %swap3A_356 = vector.shape_cast %add3A_352 : vector<16xi32> to vector<16xi32>
    tpu.vector_store %arg9[%swap3A_353], %swap3A_356 {strides = array<i32>} : memref<512xi32, #tpu.memory_space<vmem>>, vector<16xi32>,
    %dma_start3A = arith.constant 0 : i32
    %dma_start3A_357 = arith.constant 0 : i32
    %dma_start3A_358 = tpu.memref_slice %arg6[%dma_start3A, %dma_start3A_357] : memref<512x64xf32, #tpu.memory_space<vmem>> -> memref<512x64xf32, #tpu.memory_space<vmem>>
    %dma_start3A_359 = arith.constant 0 : i32
    %dma_start3A_360 = tpu.memref_slice %arg5[%dma_start3A_359] : memref<6400xi32, #tpu.memory_space<vmem>> -> memref<512xi32, #tpu.memory_space<vmem>>
    %dma_start3A_361 = arith.constant 0 : i32
    %dma_start3A_362 = arith.constant 0 : i32
    %dma_start3A_363 = tpu.memref_slice %arg3[%dma_start3A_361, %dma_start3A_362] : memref<100000x64xf32, #tpu.memory_space<hbm>> -> memref<100000x64xf32, #tpu.memory_space<hbm>>
    tpu.enqueue_indirect_dma source(%dma_start3A_363 : memref<100000x64xf32, #tpu.memory_space<hbm>>) target(%dma_start3A_358 : memref<512x64xf32, #tpu.memory_space<vmem>>) offsets(%dma_start3A_360 : memref<512xi32, #tpu.memory_space<vmem>>) semaphore(%arg12 : memref<!tpu.dma_semaphore, #tpu.memory_space<semaphore_mem>>)
    %dma_start3A_364 = arith.constant 0 : i32
    %dma_start3A_365 = arith.constant 0 : i32
    %dma_start3A_366 = tpu.memref_slice %arg7[%dma_start3A_364, %dma_start3A_365] : memref<512x64xf32, #tpu.memory_space<vmem>> -> memref<512x64xf32, #tpu.memory_space<vmem>>
    %dma_start3A_367 = arith.constant 512 : i32
    %dma_start3A_368 = tpu.memref_slice %arg5[%dma_start3A_367] : memref<6400xi32, #tpu.memory_space<vmem>> -> memref<512xi32, #tpu.memory_space<vmem>>
    %dma_start3A_369 = arith.constant 0 : i32
    %dma_start3A_370 = arith.constant 0 : i32
    %dma_start3A_371 = tpu.memref_slice %arg3[%dma_start3A_369, %dma_start3A_370] : memref<100000x64xf32, #tpu.memory_space<hbm>> -> memref<100000x64xf32, #tpu.memory_space<hbm>>
    tpu.enqueue_indirect_dma source(%dma_start3A_371 : memref<100000x64xf32, #tpu.memory_space<hbm>>) target(%dma_start3A_366 : memref<512x64xf32, #tpu.memory_space<vmem>>) offsets(%dma_start3A_368 : memref<512xi32, #tpu.memory_space<vmem>>) semaphore(%arg13 : memref<!tpu.dma_semaphore, #tpu.memory_space<semaphore_mem>>)
    %scan3A = arith.constant 0 : i32
    %scan3A_372 = arith.constant 0 : i32
    %scan3A_373 = arith.constant 128 : i32
    %scan3A_374 = arith.addi %scan3A_372, %scan3A_373 : i32
    %scan3A_375 = arith.constant 1 : i32
    scf.for %scan3A_724 = %scan3A_372 to %scan3A_374 step %scan3A_375  : i32 {
      %broadcast_in_dim3A = arith.constant 0.000000e+00 : f32
      %broadcast_in_dim3A_725 = vector.broadcast %broadcast_in_dim3A : f32 to vector<16xf32>
      %swap3A_726 = arith.index_cast %scan3A_724 : i32 to index
      %swap3A_727 = arith.constant 0 : index
      %swap3A_728 = tpu.vector_load %arg8[%swap3A_726, %swap3A_727] {strides = array<i32>} : memref<512x64xf32, #tpu.memory_space<vmem>>, vector<1x16xf32>,
      %swap3A_729 = vector.shape_cast %swap3A_728 : vector<1x16xf32> to vector<16xf32>
      %swap3A_730 = vector.shape_cast %broadcast_in_dim3A_725 : vector<16xf32> to vector<1x16xf32>
      tpu.vector_store %arg8[%swap3A_726, %swap3A_727], %swap3A_730 {strides = array<i32>} : memref<512x64xf32, #tpu.memory_space<vmem>>, vector<1x16xf32>,
      %broadcast_in_dim3A_731 = arith.constant 0.000000e+00 : f32
      %broadcast_in_dim3A_732 = vector.broadcast %broadcast_in_dim3A_731 : f32 to vector<16xf32>
      %swap3A_733 = arith.index_cast %scan3A_724 : i32 to index
      %swap3A_734 = arith.constant 16 : index
      %swap3A_735 = tpu.vector_load %arg8[%swap3A_733, %swap3A_734] {strides = array<i32>} : memref<512x64xf32, #tpu.memory_space<vmem>>, vector<1x16xf32>,
      %swap3A_736 = vector.shape_cast %swap3A_735 : vector<1x16xf32> to vector<16xf32>
      %swap3A_737 = vector.shape_cast %broadcast_in_dim3A_732 : vector<16xf32> to vector<1x16xf32>
      tpu.vector_store %arg8[%swap3A_733, %swap3A_734], %swap3A_737 {strides = array<i32>} : memref<512x64xf32, #tpu.memory_space<vmem>>, vector<1x16xf32>,
      %broadcast_in_dim3A_738 = arith.constant 0.000000e+00 : f32
      %broadcast_in_dim3A_739 = vector.broadcast %broadcast_in_dim3A_738 : f32 to vector<16xf32>
      %swap3A_740 = arith.index_cast %scan3A_724 : i32 to index
      %swap3A_741 = arith.constant 32 : index
      %swap3A_742 = tpu.vector_load %arg8[%swap3A_740, %swap3A_741] {strides = array<i32>} : memref<512x64xf32, #tpu.memory_space<vmem>>, vector<1x16xf32>,
      %swap3A_743 = vector.shape_cast %swap3A_742 : vector<1x16xf32> to vector<16xf32>
      %swap3A_744 = vector.shape_cast %broadcast_in_dim3A_739 : vector<16xf32> to vector<1x16xf32>
      tpu.vector_store %arg8[%swap3A_740, %swap3A_741], %swap3A_744 {strides = array<i32>} : memref<512x64xf32, #tpu.memory_space<vmem>>, vector<1x16xf32>,
      %broadcast_in_dim3A_745 = arith.constant 0.000000e+00 : f32
      %broadcast_in_dim3A_746 = vector.broadcast %broadcast_in_dim3A_745 : f32 to vector<16xf32>
      %swap3A_747 = arith.index_cast %scan3A_724 : i32 to index
      %swap3A_748 = arith.constant 48 : index
      %swap3A_749 = tpu.vector_load %arg8[%swap3A_747, %swap3A_748] {strides = array<i32>} : memref<512x64xf32, #tpu.memory_space<vmem>>, vector<1x16xf32>,
      %swap3A_750 = vector.shape_cast %swap3A_749 : vector<1x16xf32> to vector<16xf32>
      %swap3A_751 = vector.shape_cast %broadcast_in_dim3A_746 : vector<16xf32> to vector<1x16xf32>
      tpu.vector_store %arg8[%swap3A_747, %swap3A_748], %swap3A_751 {strides = array<i32>} : memref<512x64xf32, #tpu.memory_space<vmem>>, vector<1x16xf32>,
    }
    %scan3A_376 = arith.constant 128 : i32
    "tpu.region"() ({
      %run_scoped3A = tpu.sem_alloc : memref<!tpu.dma_semaphore, #tpu.memory_space<semaphore_mem>>
      %dma_start3A_724 = arith.constant 0 : i32
      %dma_start3A_725 = arith.constant 0 : i32
      %dma_start3A_726 = tpu.memref_slice %arg8[%dma_start3A_724, %dma_start3A_725] : memref<512x64xf32, #tpu.memory_space<vmem>> -> memref<128x64xf32, #tpu.memory_space<vmem>>
      %dma_start3A_727 = arith.constant 0 : i32
      %dma_start3A_728 = tpu.memref_slice %arg11[%mul3A_4, %dma_start3A_727] : memref<2048x64xf32, #tpu.memory_space<vmem_shared>> -> memref<128x64xf32, #tpu.memory_space<vmem_shared>>
      %dma_start3A_729 = arith.constant 0 : i32
      %dma_start3A_730 = tpu.memref_slice %arg11[%mul3A_4, %dma_start3A_729] : memref<2048x64xf32, #tpu.memory_space<vmem_shared>> -> memref<128x64xf32, #tpu.memory_space<vmem_shared>>
      %dma_start3A_731 = arith.constant 0 : i32
      %dma_start3A_732 = arith.constant 0 : i32
      %dma_start3A_733 = tpu.memref_slice %arg8[%dma_start3A_731, %dma_start3A_732] : memref<512x64xf32, #tpu.memory_space<vmem>> -> memref<128x64xf32, #tpu.memory_space<vmem>>
      tpu.enqueue_dma source(%dma_start3A_733 : memref<128x64xf32, #tpu.memory_space<vmem>>) target(%dma_start3A_730 : memref<128x64xf32, #tpu.memory_space<vmem_shared>>) target_semaphore(%run_scoped3A : memref<!tpu.dma_semaphore, #tpu.memory_space<semaphore_mem>>)
      %dma_wait3A_734 = arith.constant 0 : i32
      %dma_wait3A_735 = arith.constant 0 : i32
      %dma_wait3A_736 = tpu.memref_slice %arg8[%dma_wait3A_734, %dma_wait3A_735] : memref<512x64xf32, #tpu.memory_space<vmem>> -> memref<128x64xf32, #tpu.memory_space<vmem>>
      %dma_wait3A_737 = arith.constant 0 : i32
      %dma_wait3A_738 = tpu.memref_slice %arg11[%mul3A_4, %dma_wait3A_737] : memref<2048x64xf32, #tpu.memory_space<vmem_shared>> -> memref<128x64xf32, #tpu.memory_space<vmem_shared>>
      %dma_wait3A_739 = arith.constant 0 : i32
      %dma_wait3A_740 = tpu.memref_slice %arg11[%mul3A_4, %dma_wait3A_739] : memref<2048x64xf32, #tpu.memory_space<vmem_shared>> -> memref<128x64xf32, #tpu.memory_space<vmem_shared>>
      %dma_wait3A_741 = arith.constant 0 : i32
      %dma_wait3A_742 = arith.constant 0 : i32
      %dma_wait3A_743 = tpu.memref_slice %arg8[%dma_wait3A_741, %dma_wait3A_742] : memref<512x64xf32, #tpu.memory_space<vmem>> -> memref<128x64xf32, #tpu.memory_space<vmem>>
      tpu.wait_dma2 semaphore(%run_scoped3A : memref<!tpu.dma_semaphore, #tpu.memory_space<semaphore_mem>>) src(%dma_wait3A_743 : memref<128x64xf32, #tpu.memory_space<vmem>>) dst(%dma_wait3A_740 : memref<128x64xf32, #tpu.memory_space<vmem_shared>>)
      tpu.yield
    }) : () -> ()
    %dma_start3A_377 = arith.constant 0 : i32
    %dma_start3A_378 = arith.constant 0 : i32
    %dma_start3A_379 = tpu.memref_slice %arg8[%dma_start3A_377, %dma_start3A_378] : memref<512x64xf32, #tpu.memory_space<vmem>> -> memref<512x64xf32, #tpu.memory_space<vmem>>
    %dma_start3A_380 = arith.constant 1024 : i32
    %dma_start3A_381 = tpu.memref_slice %arg5[%dma_start3A_380] : memref<6400xi32, #tpu.memory_space<vmem>> -> memref<512xi32, #tpu.memory_space<vmem>>
    %dma_start3A_382 = arith.constant 0 : i32
    %dma_start3A_383 = arith.constant 0 : i32
    %dma_start3A_384 = tpu.memref_slice %arg3[%dma_start3A_382, %dma_start3A_383] : memref<100000x64xf32, #tpu.memory_space<hbm>> -> memref<100000x64xf32, #tpu.memory_space<hbm>>
    tpu.enqueue_indirect_dma source(%dma_start3A_384 : memref<100000x64xf32, #tpu.memory_space<hbm>>) target(%dma_start3A_379 : memref<512x64xf32, #tpu.memory_space<vmem>>) offsets(%dma_start3A_381 : memref<512xi32, #tpu.memory_space<vmem>>) semaphore(%arg14 : memref<!tpu.dma_semaphore, #tpu.memory_space<semaphore_mem>>)
    %dma_wait3A = arith.constant 0 : i32
    %dma_wait3A_385 = arith.constant 0 : i32
    %dma_wait3A_386 = tpu.memref_slice %arg6[%dma_wait3A, %dma_wait3A_385] : memref<512x64xf32, #tpu.memory_space<vmem>> -> memref<512x64xf32, #tpu.memory_space<vmem>>
    %dma_wait3A_387 = arith.constant 0 : i32
    %dma_wait3A_388 = tpu.memref_slice %arg5[%dma_wait3A_387] : memref<6400xi32, #tpu.memory_space<vmem>> -> memref<512xi32, #tpu.memory_space<vmem>>
    %dma_wait3A_389 = arith.constant 0 : i32
    %dma_wait3A_390 = arith.constant 0 : i32
    %dma_wait3A_391 = tpu.memref_slice %arg3[%dma_wait3A_389, %dma_wait3A_390] : memref<100000x64xf32, #tpu.memory_space<hbm>> -> memref<100000x64xf32, #tpu.memory_space<hbm>>
    tpu.wait_indirect_dma semaphore(%arg12 : memref<!tpu.dma_semaphore, #tpu.memory_space<semaphore_mem>>) src(%dma_wait3A_391 : memref<100000x64xf32, #tpu.memory_space<hbm>>) dst(%dma_wait3A_386 : memref<512x64xf32, #tpu.memory_space<vmem>>)
    %dma_start3A_392 = arith.constant 0 : i32
    %dma_start3A_393 = arith.constant 0 : i32
    %dma_start3A_394 = tpu.memref_slice %arg6[%dma_start3A_392, %dma_start3A_393] : memref<512x64xf32, #tpu.memory_space<vmem>> -> memref<512x64xf32, #tpu.memory_space<vmem>>
    %dma_start3A_395 = arith.constant 0 : i32
    %dma_start3A_396 = arith.constant 0 : i32
    %dma_start3A_397 = tpu.memref_slice %arg11[%dma_start3A_395, %dma_start3A_396] : memref<2048x64xf32, #tpu.memory_space<vmem_shared>> -> memref<2048x64xf32, #tpu.memory_space<vmem_shared>>
    tpu.enqueue_indirect_dma source(%dma_start3A_394 : memref<512x64xf32, #tpu.memory_space<vmem>>) target(%dma_start3A_397 : memref<2048x64xf32, #tpu.memory_space<vmem_shared>>) offsets(%arg9 : memref<512xi32, #tpu.memory_space<vmem>>) semaphore(%arg15 : memref<!tpu.dma_semaphore, #tpu.memory_space<semaphore_mem>>) {add = true}
    %dma_wait3A_398 = arith.constant 0 : i32
    %dma_wait3A_399 = arith.constant 0 : i32
    %dma_wait3A_400 = tpu.memref_slice %arg6[%dma_wait3A_398, %dma_wait3A_399] : memref<512x64xf32, #tpu.memory_space<vmem>> -> memref<512x64xf32, #tpu.memory_space<vmem>>
    %dma_wait3A_401 = arith.constant 0 : i32
    %dma_wait3A_402 = arith.constant 0 : i32
    %dma_wait3A_403 = tpu.memref_slice %arg11[%dma_wait3A_401, %dma_wait3A_402] : memref<2048x64xf32, #tpu.memory_space<vmem_shared>> -> memref<2048x64xf32, #tpu.memory_space<vmem_shared>>
    tpu.wait_indirect_dma semaphore(%arg15 : memref<!tpu.dma_semaphore, #tpu.memory_space<semaphore_mem>>) src(%dma_wait3A_400 : memref<512x64xf32, #tpu.memory_space<vmem>>) dst(%dma_wait3A_403 : memref<2048x64xf32, #tpu.memory_space<vmem_shared>>)
    %dma_start3A_404 = arith.constant 0 : i32
    %dma_start3A_405 = arith.constant 0 : i32
    %dma_start3A_406 = tpu.memref_slice %arg6[%dma_start3A_404, %dma_start3A_405] : memref<512x64xf32, #tpu.memory_space<vmem>> -> memref<512x64xf32, #tpu.memory_space<vmem>>
    %dma_start3A_407 = arith.constant 1536 : i32
    %dma_start3A_408 = tpu.memref_slice %arg5[%dma_start3A_407] : memref<6400xi32, #tpu.memory_space<vmem>> -> memref<512xi32, #tpu.memory_space<vmem>>
    %dma_start3A_409 = arith.constant 0 : i32
    %dma_start3A_410 = arith.constant 0 : i32
    %dma_start3A_411 = tpu.memref_slice %arg3[%dma_start3A_409, %dma_start3A_410] : memref<100000x64xf32, #tpu.memory_space<hbm>> -> memref<100000x64xf32, #tpu.memory_space<hbm>>
    tpu.enqueue_indirect_dma source(%dma_start3A_411 : memref<100000x64xf32, #tpu.memory_space<hbm>>) target(%dma_start3A_406 : memref<512x64xf32, #tpu.memory_space<vmem>>) offsets(%dma_start3A_408 : memref<512xi32, #tpu.memory_space<vmem>>) semaphore(%arg12 : memref<!tpu.dma_semaphore, #tpu.memory_space<semaphore_mem>>)
    %dma_wait3A_412 = arith.constant 0 : i32
    %dma_wait3A_413 = arith.constant 0 : i32
    %dma_wait3A_414 = tpu.memref_slice %arg7[%dma_wait3A_412, %dma_wait3A_413] : memref<512x64xf32, #tpu.memory_space<vmem>> -> memref<512x64xf32, #tpu.memory_space<vmem>>
    %dma_wait3A_415 = arith.constant 512 : i32
    %dma_wait3A_416 = tpu.memref_slice %arg5[%dma_wait3A_415] : memref<6400xi32, #tpu.memory_space<vmem>> -> memref<512xi32, #tpu.memory_space<vmem>>
    %dma_wait3A_417 = arith.constant 0 : i32
    %dma_wait3A_418 = arith.constant 0 : i32
    %dma_wait3A_419 = tpu.memref_slice %arg3[%dma_wait3A_417, %dma_wait3A_418] : memref<100000x64xf32, #tpu.memory_space<hbm>> -> memref<100000x64xf32, #tpu.memory_space<hbm>>
    tpu.wait_indirect_dma semaphore(%arg13 : memref<!tpu.dma_semaphore, #tpu.memory_space<semaphore_mem>>) src(%dma_wait3A_419 : memref<100000x64xf32, #tpu.memory_space<hbm>>) dst(%dma_wait3A_414 : memref<512x64xf32, #tpu.memory_space<vmem>>)
    %dma_start3A_420 = arith.constant 0 : i32
    %dma_start3A_421 = arith.constant 0 : i32
    %dma_start3A_422 = tpu.memref_slice %arg7[%dma_start3A_420, %dma_start3A_421] : memref<512x64xf32, #tpu.memory_space<vmem>> -> memref<512x64xf32, #tpu.memory_space<vmem>>
    %dma_start3A_423 = arith.constant 0 : i32
    %dma_start3A_424 = arith.constant 0 : i32
    %dma_start3A_425 = tpu.memref_slice %arg11[%dma_start3A_423, %dma_start3A_424] : memref<2048x64xf32, #tpu.memory_space<vmem_shared>> -> memref<2048x64xf32, #tpu.memory_space<vmem_shared>>
    tpu.enqueue_indirect_dma source(%dma_start3A_422 : memref<512x64xf32, #tpu.memory_space<vmem>>) target(%dma_start3A_425 : memref<2048x64xf32, #tpu.memory_space<vmem_shared>>) offsets(%arg9 : memref<512xi32, #tpu.memory_space<vmem>>) semaphore(%arg16 : memref<!tpu.dma_semaphore, #tpu.memory_space<semaphore_mem>>) {add = true}
    %dma_wait3A_426 = arith.constant 0 : i32
    %dma_wait3A_427 = arith.constant 0 : i32
    %dma_wait3A_428 = tpu.memref_slice %arg7[%dma_wait3A_426, %dma_wait3A_427] : memref<512x64xf32, #tpu.memory_space<vmem>> -> memref<512x64xf32, #tpu.memory_space<vmem>>
    %dma_wait3A_429 = arith.constant 0 : i32
    %dma_wait3A_430 = arith.constant 0 : i32
    %dma_wait3A_431 = tpu.memref_slice %arg11[%dma_wait3A_429, %dma_wait3A_430] : memref<2048x64xf32, #tpu.memory_space<vmem_shared>> -> memref<2048x64xf32, #tpu.memory_space<vmem_shared>>
    tpu.wait_indirect_dma semaphore(%arg16 : memref<!tpu.dma_semaphore, #tpu.memory_space<semaphore_mem>>) src(%dma_wait3A_428 : memref<512x64xf32, #tpu.memory_space<vmem>>) dst(%dma_wait3A_431 : memref<2048x64xf32, #tpu.memory_space<vmem_shared>>)
    %dma_start3A_432 = arith.constant 0 : i32
    %dma_start3A_433 = arith.constant 0 : i32
    %dma_start3A_434 = tpu.memref_slice %arg7[%dma_start3A_432, %dma_start3A_433] : memref<512x64xf32, #tpu.memory_space<vmem>> -> memref<512x64xf32, #tpu.memory_space<vmem>>
    %dma_start3A_435 = arith.constant 2048 : i32
    %dma_start3A_436 = tpu.memref_slice %arg5[%dma_start3A_435] : memref<6400xi32, #tpu.memory_space<vmem>> -> memref<512xi32, #tpu.memory_space<vmem>>
    %dma_start3A_437 = arith.constant 0 : i32
    %dma_start3A_438 = arith.constant 0 : i32
    %dma_start3A_439 = tpu.memref_slice %arg3[%dma_start3A_437, %dma_start3A_438] : memref<100000x64xf32, #tpu.memory_space<hbm>> -> memref<100000x64xf32, #tpu.memory_space<hbm>>
    tpu.enqueue_indirect_dma source(%dma_start3A_439 : memref<100000x64xf32, #tpu.memory_space<hbm>>) target(%dma_start3A_434 : memref<512x64xf32, #tpu.memory_space<vmem>>) offsets(%dma_start3A_436 : memref<512xi32, #tpu.memory_space<vmem>>) semaphore(%arg13 : memref<!tpu.dma_semaphore, #tpu.memory_space<semaphore_mem>>)
    %dma_wait3A_440 = arith.constant 0 : i32
    %dma_wait3A_441 = arith.constant 0 : i32
    %dma_wait3A_442 = tpu.memref_slice %arg8[%dma_wait3A_440, %dma_wait3A_441] : memref<512x64xf32, #tpu.memory_space<vmem>> -> memref<512x64xf32, #tpu.memory_space<vmem>>
    %dma_wait3A_443 = arith.constant 1024 : i32
    %dma_wait3A_444 = tpu.memref_slice %arg5[%dma_wait3A_443] : memref<6400xi32, #tpu.memory_space<vmem>> -> memref<512xi32, #tpu.memory_space<vmem>>
    %dma_wait3A_445 = arith.constant 0 : i32
    %dma_wait3A_446 = arith.constant 0 : i32
    %dma_wait3A_447 = tpu.memref_slice %arg3[%dma_wait3A_445, %dma_wait3A_446] : memref<100000x64xf32, #tpu.memory_space<hbm>> -> memref<100000x64xf32, #tpu.memory_space<hbm>>
    tpu.wait_indirect_dma semaphore(%arg14 : memref<!tpu.dma_semaphore, #tpu.memory_space<semaphore_mem>>) src(%dma_wait3A_447 : memref<100000x64xf32, #tpu.memory_space<hbm>>) dst(%dma_wait3A_442 : memref<512x64xf32, #tpu.memory_space<vmem>>)
    %dma_start3A_448 = arith.constant 0 : i32
    %dma_start3A_449 = arith.constant 0 : i32
    %dma_start3A_450 = tpu.memref_slice %arg8[%dma_start3A_448, %dma_start3A_449] : memref<512x64xf32, #tpu.memory_space<vmem>> -> memref<512x64xf32, #tpu.memory_space<vmem>>
    %dma_start3A_451 = arith.constant 0 : i32
    %dma_start3A_452 = arith.constant 0 : i32
    %dma_start3A_453 = tpu.memref_slice %arg11[%dma_start3A_451, %dma_start3A_452] : memref<2048x64xf32, #tpu.memory_space<vmem_shared>> -> memref<2048x64xf32, #tpu.memory_space<vmem_shared>>
    tpu.enqueue_indirect_dma source(%dma_start3A_450 : memref<512x64xf32, #tpu.memory_space<vmem>>) target(%dma_start3A_453 : memref<2048x64xf32, #tpu.memory_space<vmem_shared>>) offsets(%arg9 : memref<512xi32, #tpu.memory_space<vmem>>) semaphore(%arg17 : memref<!tpu.dma_semaphore, #tpu.memory_space<semaphore_mem>>) {add = true}
    %dma_wait3A_454 = arith.constant 0 : i32
    %dma_wait3A_455 = arith.constant 0 : i32
    %dma_wait3A_456 = tpu.memref_slice %arg8[%dma_wait3A_454, %dma_wait3A_455] : memref<512x64xf32, #tpu.memory_space<vmem>> -> memref<512x64xf32, #tpu.memory_space<vmem>>
    %dma_wait3A_457 = arith.constant 0 : i32
    %dma_wait3A_458 = arith.constant 0 : i32
    %dma_wait3A_459 = tpu.memref_slice %arg11[%dma_wait3A_457, %dma_wait3A_458] : memref<2048x64xf32, #tpu.memory_space<vmem_shared>> -> memref<2048x64xf32, #tpu.memory_space<vmem_shared>>
    tpu.wait_indirect_dma semaphore(%arg17 : memref<!tpu.dma_semaphore, #tpu.memory_space<semaphore_mem>>) src(%dma_wait3A_456 : memref<512x64xf32, #tpu.memory_space<vmem>>) dst(%dma_wait3A_459 : memref<2048x64xf32, #tpu.memory_space<vmem_shared>>)
    %dma_start3A_460 = arith.constant 0 : i32
    %dma_start3A_461 = arith.constant 0 : i32
    %dma_start3A_462 = tpu.memref_slice %arg8[%dma_start3A_460, %dma_start3A_461] : memref<512x64xf32, #tpu.memory_space<vmem>> -> memref<512x64xf32, #tpu.memory_space<vmem>>
    %dma_start3A_463 = arith.constant 2560 : i32
    %dma_start3A_464 = tpu.memref_slice %arg5[%dma_start3A_463] : memref<6400xi32, #tpu.memory_space<vmem>> -> memref<512xi32, #tpu.memory_space<vmem>>
    %dma_start3A_465 = arith.constant 0 : i32
    %dma_start3A_466 = arith.constant 0 : i32
    %dma_start3A_467 = tpu.memref_slice %arg3[%dma_start3A_465, %dma_start3A_466] : memref<100000x64xf32, #tpu.memory_space<hbm>> -> memref<100000x64xf32, #tpu.memory_space<hbm>>
    tpu.enqueue_indirect_dma source(%dma_start3A_467 : memref<100000x64xf32, #tpu.memory_space<hbm>>) target(%dma_start3A_462 : memref<512x64xf32, #tpu.memory_space<vmem>>) offsets(%dma_start3A_464 : memref<512xi32, #tpu.memory_space<vmem>>) semaphore(%arg14 : memref<!tpu.dma_semaphore, #tpu.memory_space<semaphore_mem>>)
    %dma_wait3A_468 = arith.constant 0 : i32
    %dma_wait3A_469 = arith.constant 0 : i32
    %dma_wait3A_470 = tpu.memref_slice %arg6[%dma_wait3A_468, %dma_wait3A_469] : memref<512x64xf32, #tpu.memory_space<vmem>> -> memref<512x64xf32, #tpu.memory_space<vmem>>
    %dma_wait3A_471 = arith.constant 1536 : i32
    %dma_wait3A_472 = tpu.memref_slice %arg5[%dma_wait3A_471] : memref<6400xi32, #tpu.memory_space<vmem>> -> memref<512xi32, #tpu.memory_space<vmem>>
    %dma_wait3A_473 = arith.constant 0 : i32
    %dma_wait3A_474 = arith.constant 0 : i32
    %dma_wait3A_475 = tpu.memref_slice %arg3[%dma_wait3A_473, %dma_wait3A_474] : memref<100000x64xf32, #tpu.memory_space<hbm>> -> memref<100000x64xf32, #tpu.memory_space<hbm>>
    tpu.wait_indirect_dma semaphore(%arg12 : memref<!tpu.dma_semaphore, #tpu.memory_space<semaphore_mem>>) src(%dma_wait3A_475 : memref<100000x64xf32, #tpu.memory_space<hbm>>) dst(%dma_wait3A_470 : memref<512x64xf32, #tpu.memory_space<vmem>>)
    %dma_start3A_476 = arith.constant 0 : i32
    %dma_start3A_477 = arith.constant 0 : i32
    %dma_start3A_478 = tpu.memref_slice %arg6[%dma_start3A_476, %dma_start3A_477] : memref<512x64xf32, #tpu.memory_space<vmem>> -> memref<512x64xf32, #tpu.memory_space<vmem>>
    %dma_start3A_479 = arith.constant 0 : i32
    %dma_start3A_480 = arith.constant 0 : i32
    %dma_start3A_481 = tpu.memref_slice %arg11[%dma_start3A_479, %dma_start3A_480] : memref<2048x64xf32, #tpu.memory_space<vmem_shared>> -> memref<2048x64xf32, #tpu.memory_space<vmem_shared>>
    tpu.enqueue_indirect_dma source(%dma_start3A_478 : memref<512x64xf32, #tpu.memory_space<vmem>>) target(%dma_start3A_481 : memref<2048x64xf32, #tpu.memory_space<vmem_shared>>) offsets(%arg9 : memref<512xi32, #tpu.memory_space<vmem>>) semaphore(%arg15 : memref<!tpu.dma_semaphore, #tpu.memory_space<semaphore_mem>>) {add = true}
    %dma_wait3A_482 = arith.constant 0 : i32
    %dma_wait3A_483 = arith.constant 0 : i32
    %dma_wait3A_484 = tpu.memref_slice %arg6[%dma_wait3A_482, %dma_wait3A_483] : memref<512x64xf32, #tpu.memory_space<vmem>> -> memref<512x64xf32, #tpu.memory_space<vmem>>
    %dma_wait3A_485 = arith.constant 0 : i32
    %dma_wait3A_486 = arith.constant 0 : i32
    %dma_wait3A_487 = tpu.memref_slice %arg11[%dma_wait3A_485, %dma_wait3A_486] : memref<2048x64xf32, #tpu.memory_space<vmem_shared>> -> memref<2048x64xf32, #tpu.memory_space<vmem_shared>>
    tpu.wait_indirect_dma semaphore(%arg15 : memref<!tpu.dma_semaphore, #tpu.memory_space<semaphore_mem>>) src(%dma_wait3A_484 : memref<512x64xf32, #tpu.memory_space<vmem>>) dst(%dma_wait3A_487 : memref<2048x64xf32, #tpu.memory_space<vmem_shared>>)
    %dma_start3A_488 = arith.constant 0 : i32
    %dma_start3A_489 = arith.constant 0 : i32
    %dma_start3A_490 = tpu.memref_slice %arg6[%dma_start3A_488, %dma_start3A_489] : memref<512x64xf32, #tpu.memory_space<vmem>> -> memref<512x64xf32, #tpu.memory_space<vmem>>
    %dma_start3A_491 = arith.constant 3072 : i32
    %dma_start3A_492 = tpu.memref_slice %arg5[%dma_start3A_491] : memref<6400xi32, #tpu.memory_space<vmem>> -> memref<512xi32, #tpu.memory_space<vmem>>
    %dma_start3A_493 = arith.constant 0 : i32
    %dma_start3A_494 = arith.constant 0 : i32
    %dma_start3A_495 = tpu.memref_slice %arg3[%dma_start3A_493, %dma_start3A_494] : memref<100000x64xf32, #tpu.memory_space<hbm>> -> memref<100000x64xf32, #tpu.memory_space<hbm>>
    tpu.enqueue_indirect_dma source(%dma_start3A_495 : memref<100000x64xf32, #tpu.memory_space<hbm>>) target(%dma_start3A_490 : memref<512x64xf32, #tpu.memory_space<vmem>>) offsets(%dma_start3A_492 : memref<512xi32, #tpu.memory_space<vmem>>) semaphore(%arg12 : memref<!tpu.dma_semaphore, #tpu.memory_space<semaphore_mem>>)
    %dma_wait3A_496 = arith.constant 0 : i32
    %dma_wait3A_497 = arith.constant 0 : i32
    %dma_wait3A_498 = tpu.memref_slice %arg7[%dma_wait3A_496, %dma_wait3A_497] : memref<512x64xf32, #tpu.memory_space<vmem>> -> memref<512x64xf32, #tpu.memory_space<vmem>>
    %dma_wait3A_499 = arith.constant 2048 : i32
    %dma_wait3A_500 = tpu.memref_slice %arg5[%dma_wait3A_499] : memref<6400xi32, #tpu.memory_space<vmem>> -> memref<512xi32, #tpu.memory_space<vmem>>
    %dma_wait3A_501 = arith.constant 0 : i32
    %dma_wait3A_502 = arith.constant 0 : i32
    %dma_wait3A_503 = tpu.memref_slice %arg3[%dma_wait3A_501, %dma_wait3A_502] : memref<100000x64xf32, #tpu.memory_space<hbm>> -> memref<100000x64xf32, #tpu.memory_space<hbm>>
    tpu.wait_indirect_dma semaphore(%arg13 : memref<!tpu.dma_semaphore, #tpu.memory_space<semaphore_mem>>) src(%dma_wait3A_503 : memref<100000x64xf32, #tpu.memory_space<hbm>>) dst(%dma_wait3A_498 : memref<512x64xf32, #tpu.memory_space<vmem>>)
    %dma_start3A_504 = arith.constant 0 : i32
    %dma_start3A_505 = arith.constant 0 : i32
    %dma_start3A_506 = tpu.memref_slice %arg7[%dma_start3A_504, %dma_start3A_505] : memref<512x64xf32, #tpu.memory_space<vmem>> -> memref<512x64xf32, #tpu.memory_space<vmem>>
    %dma_start3A_507 = arith.constant 0 : i32
    %dma_start3A_508 = arith.constant 0 : i32
    %dma_start3A_509 = tpu.memref_slice %arg11[%dma_start3A_507, %dma_start3A_508] : memref<2048x64xf32, #tpu.memory_space<vmem_shared>> -> memref<2048x64xf32, #tpu.memory_space<vmem_shared>>
    tpu.enqueue_indirect_dma source(%dma_start3A_506 : memref<512x64xf32, #tpu.memory_space<vmem>>) target(%dma_start3A_509 : memref<2048x64xf32, #tpu.memory_space<vmem_shared>>) offsets(%arg9 : memref<512xi32, #tpu.memory_space<vmem>>) semaphore(%arg16 : memref<!tpu.dma_semaphore, #tpu.memory_space<semaphore_mem>>) {add = true}
    %dma_wait3A_510 = arith.constant 0 : i32
    %dma_wait3A_511 = arith.constant 0 : i32
    %dma_wait3A_512 = tpu.memref_slice %arg7[%dma_wait3A_510, %dma_wait3A_511] : memref<512x64xf32, #tpu.memory_space<vmem>> -> memref<512x64xf32, #tpu.memory_space<vmem>>
    %dma_wait3A_513 = arith.constant 0 : i32
    %dma_wait3A_514 = arith.constant 0 : i32
    %dma_wait3A_515 = tpu.memref_slice %arg11[%dma_wait3A_513, %dma_wait3A_514] : memref<2048x64xf32, #tpu.memory_space<vmem_shared>> -> memref<2048x64xf32, #tpu.memory_space<vmem_shared>>
    tpu.wait_indirect_dma semaphore(%arg16 : memref<!tpu.dma_semaphore, #tpu.memory_space<semaphore_mem>>) src(%dma_wait3A_512 : memref<512x64xf32, #tpu.memory_space<vmem>>) dst(%dma_wait3A_515 : memref<2048x64xf32, #tpu.memory_space<vmem_shared>>)
    %dma_start3A_516 = arith.constant 0 : i32
    %dma_start3A_517 = arith.constant 0 : i32
    %dma_start3A_518 = tpu.memref_slice %arg7[%dma_start3A_516, %dma_start3A_517] : memref<512x64xf32, #tpu.memory_space<vmem>> -> memref<512x64xf32, #tpu.memory_space<vmem>>
    %dma_start3A_519 = arith.constant 3584 : i32
    %dma_start3A_520 = tpu.memref_slice %arg5[%dma_start3A_519] : memref<6400xi32, #tpu.memory_space<vmem>> -> memref<512xi32, #tpu.memory_space<vmem>>
    %dma_start3A_521 = arith.constant 0 : i32
    %dma_start3A_522 = arith.constant 0 : i32
    %dma_start3A_523 = tpu.memref_slice %arg3[%dma_start3A_521, %dma_start3A_522] : memref<100000x64xf32, #tpu.memory_space<hbm>> -> memref<100000x64xf32, #tpu.memory_space<hbm>>
    tpu.enqueue_indirect_dma source(%dma_start3A_523 : memref<100000x64xf32, #tpu.memory_space<hbm>>) target(%dma_start3A_518 : memref<512x64xf32, #tpu.memory_space<vmem>>) offsets(%dma_start3A_520 : memref<512xi32, #tpu.memory_space<vmem>>) semaphore(%arg13 : memref<!tpu.dma_semaphore, #tpu.memory_space<semaphore_mem>>)
    %dma_wait3A_524 = arith.constant 0 : i32
    %dma_wait3A_525 = arith.constant 0 : i32
    %dma_wait3A_526 = tpu.memref_slice %arg8[%dma_wait3A_524, %dma_wait3A_525] : memref<512x64xf32, #tpu.memory_space<vmem>> -> memref<512x64xf32, #tpu.memory_space<vmem>>
    %dma_wait3A_527 = arith.constant 2560 : i32
    %dma_wait3A_528 = tpu.memref_slice %arg5[%dma_wait3A_527] : memref<6400xi32, #tpu.memory_space<vmem>> -> memref<512xi32, #tpu.memory_space<vmem>>
    %dma_wait3A_529 = arith.constant 0 : i32
    %dma_wait3A_530 = arith.constant 0 : i32
    %dma_wait3A_531 = tpu.memref_slice %arg3[%dma_wait3A_529, %dma_wait3A_530] : memref<100000x64xf32, #tpu.memory_space<hbm>> -> memref<100000x64xf32, #tpu.memory_space<hbm>>
    tpu.wait_indirect_dma semaphore(%arg14 : memref<!tpu.dma_semaphore, #tpu.memory_space<semaphore_mem>>) src(%dma_wait3A_531 : memref<100000x64xf32, #tpu.memory_space<hbm>>) dst(%dma_wait3A_526 : memref<512x64xf32, #tpu.memory_space<vmem>>)
    %dma_start3A_532 = arith.constant 0 : i32
    %dma_start3A_533 = arith.constant 0 : i32
    %dma_start3A_534 = tpu.memref_slice %arg8[%dma_start3A_532, %dma_start3A_533] : memref<512x64xf32, #tpu.memory_space<vmem>> -> memref<512x64xf32, #tpu.memory_space<vmem>>
    %dma_start3A_535 = arith.constant 0 : i32
    %dma_start3A_536 = arith.constant 0 : i32
    %dma_start3A_537 = tpu.memref_slice %arg11[%dma_start3A_535, %dma_start3A_536] : memref<2048x64xf32, #tpu.memory_space<vmem_shared>> -> memref<2048x64xf32, #tpu.memory_space<vmem_shared>>
    tpu.enqueue_indirect_dma source(%dma_start3A_534 : memref<512x64xf32, #tpu.memory_space<vmem>>) target(%dma_start3A_537 : memref<2048x64xf32, #tpu.memory_space<vmem_shared>>) offsets(%arg9 : memref<512xi32, #tpu.memory_space<vmem>>) semaphore(%arg17 : memref<!tpu.dma_semaphore, #tpu.memory_space<semaphore_mem>>) {add = true}
    %dma_wait3A_538 = arith.constant 0 : i32
    %dma_wait3A_539 = arith.constant 0 : i32
    %dma_wait3A_540 = tpu.memref_slice %arg8[%dma_wait3A_538, %dma_wait3A_539] : memref<512x64xf32, #tpu.memory_space<vmem>> -> memref<512x64xf32, #tpu.memory_space<vmem>>
    %dma_wait3A_541 = arith.constant 0 : i32
    %dma_wait3A_542 = arith.constant 0 : i32
    %dma_wait3A_543 = tpu.memref_slice %arg11[%dma_wait3A_541, %dma_wait3A_542] : memref<2048x64xf32, #tpu.memory_space<vmem_shared>> -> memref<2048x64xf32, #tpu.memory_space<vmem_shared>>
    tpu.wait_indirect_dma semaphore(%arg17 : memref<!tpu.dma_semaphore, #tpu.memory_space<semaphore_mem>>) src(%dma_wait3A_540 : memref<512x64xf32, #tpu.memory_space<vmem>>) dst(%dma_wait3A_543 : memref<2048x64xf32, #tpu.memory_space<vmem_shared>>)
    %dma_start3A_544 = arith.constant 0 : i32
    %dma_start3A_545 = arith.constant 0 : i32
    %dma_start3A_546 = tpu.memref_slice %arg8[%dma_start3A_544, %dma_start3A_545] : memref<512x64xf32, #tpu.memory_space<vmem>> -> memref<512x64xf32, #tpu.memory_space<vmem>>
    %dma_start3A_547 = arith.constant 4096 : i32
    %dma_start3A_548 = tpu.memref_slice %arg5[%dma_start3A_547] : memref<6400xi32, #tpu.memory_space<vmem>> -> memref<512xi32, #tpu.memory_space<vmem>>
    %dma_start3A_549 = arith.constant 0 : i32
    %dma_start3A_550 = arith.constant 0 : i32
    %dma_start3A_551 = tpu.memref_slice %arg3[%dma_start3A_549, %dma_start3A_550] : memref<100000x64xf32, #tpu.memory_space<hbm>> -> memref<100000x64xf32, #tpu.memory_space<hbm>>
    tpu.enqueue_indirect_dma source(%dma_start3A_551 : memref<100000x64xf32, #tpu.memory_space<hbm>>) target(%dma_start3A_546 : memref<512x64xf32, #tpu.memory_space<vmem>>) offsets(%dma_start3A_548 : memref<512xi32, #tpu.memory_space<vmem>>) semaphore(%arg14 : memref<!tpu.dma_semaphore, #tpu.memory_space<semaphore_mem>>)
    %dma_wait3A_552 = arith.constant 0 : i32
    %dma_wait3A_553 = arith.constant 0 : i32
    %dma_wait3A_554 = tpu.memref_slice %arg6[%dma_wait3A_552, %dma_wait3A_553] : memref<512x64xf32, #tpu.memory_space<vmem>> -> memref<512x64xf32, #tpu.memory_space<vmem>>
    %dma_wait3A_555 = arith.constant 3072 : i32
    %dma_wait3A_556 = tpu.memref_slice %arg5[%dma_wait3A_555] : memref<6400xi32, #tpu.memory_space<vmem>> -> memref<512xi32, #tpu.memory_space<vmem>>
    %dma_wait3A_557 = arith.constant 0 : i32
    %dma_wait3A_558 = arith.constant 0 : i32
    %dma_wait3A_559 = tpu.memref_slice %arg3[%dma_wait3A_557, %dma_wait3A_558] : memref<100000x64xf32, #tpu.memory_space<hbm>> -> memref<100000x64xf32, #tpu.memory_space<hbm>>
    tpu.wait_indirect_dma semaphore(%arg12 : memref<!tpu.dma_semaphore, #tpu.memory_space<semaphore_mem>>) src(%dma_wait3A_559 : memref<100000x64xf32, #tpu.memory_space<hbm>>) dst(%dma_wait3A_554 : memref<512x64xf32, #tpu.memory_space<vmem>>)
    %dma_start3A_560 = arith.constant 0 : i32
    %dma_start3A_561 = arith.constant 0 : i32
    %dma_start3A_562 = tpu.memref_slice %arg6[%dma_start3A_560, %dma_start3A_561] : memref<512x64xf32, #tpu.memory_space<vmem>> -> memref<512x64xf32, #tpu.memory_space<vmem>>
    %dma_start3A_563 = arith.constant 0 : i32
    %dma_start3A_564 = arith.constant 0 : i32
    %dma_start3A_565 = tpu.memref_slice %arg11[%dma_start3A_563, %dma_start3A_564] : memref<2048x64xf32, #tpu.memory_space<vmem_shared>> -> memref<2048x64xf32, #tpu.memory_space<vmem_shared>>
    tpu.enqueue_indirect_dma source(%dma_start3A_562 : memref<512x64xf32, #tpu.memory_space<vmem>>) target(%dma_start3A_565 : memref<2048x64xf32, #tpu.memory_space<vmem_shared>>) offsets(%arg9 : memref<512xi32, #tpu.memory_space<vmem>>) semaphore(%arg15 : memref<!tpu.dma_semaphore, #tpu.memory_space<semaphore_mem>>) {add = true}
    %dma_wait3A_566 = arith.constant 0 : i32
    %dma_wait3A_567 = arith.constant 0 : i32
    %dma_wait3A_568 = tpu.memref_slice %arg6[%dma_wait3A_566, %dma_wait3A_567] : memref<512x64xf32, #tpu.memory_space<vmem>> -> memref<512x64xf32, #tpu.memory_space<vmem>>
    %dma_wait3A_569 = arith.constant 0 : i32
    %dma_wait3A_570 = arith.constant 0 : i32
    %dma_wait3A_571 = tpu.memref_slice %arg11[%dma_wait3A_569, %dma_wait3A_570] : memref<2048x64xf32, #tpu.memory_space<vmem_shared>> -> memref<2048x64xf32, #tpu.memory_space<vmem_shared>>
    tpu.wait_indirect_dma semaphore(%arg15 : memref<!tpu.dma_semaphore, #tpu.memory_space<semaphore_mem>>) src(%dma_wait3A_568 : memref<512x64xf32, #tpu.memory_space<vmem>>) dst(%dma_wait3A_571 : memref<2048x64xf32, #tpu.memory_space<vmem_shared>>)
    %dma_start3A_572 = arith.constant 0 : i32
    %dma_start3A_573 = arith.constant 0 : i32
    %dma_start3A_574 = tpu.memref_slice %arg6[%dma_start3A_572, %dma_start3A_573] : memref<512x64xf32, #tpu.memory_space<vmem>> -> memref<512x64xf32, #tpu.memory_space<vmem>>
    %dma_start3A_575 = arith.constant 4608 : i32
    %dma_start3A_576 = tpu.memref_slice %arg5[%dma_start3A_575] : memref<6400xi32, #tpu.memory_space<vmem>> -> memref<512xi32, #tpu.memory_space<vmem>>
    %dma_start3A_577 = arith.constant 0 : i32
    %dma_start3A_578 = arith.constant 0 : i32
    %dma_start3A_579 = tpu.memref_slice %arg3[%dma_start3A_577, %dma_start3A_578] : memref<100000x64xf32, #tpu.memory_space<hbm>> -> memref<100000x64xf32, #tpu.memory_space<hbm>>
    tpu.enqueue_indirect_dma source(%dma_start3A_579 : memref<100000x64xf32, #tpu.memory_space<hbm>>) target(%dma_start3A_574 : memref<512x64xf32, #tpu.memory_space<vmem>>) offsets(%dma_start3A_576 : memref<512xi32, #tpu.memory_space<vmem>>) semaphore(%arg12 : memref<!tpu.dma_semaphore, #tpu.memory_space<semaphore_mem>>)
    %dma_wait3A_580 = arith.constant 0 : i32
    %dma_wait3A_581 = arith.constant 0 : i32
    %dma_wait3A_582 = tpu.memref_slice %arg7[%dma_wait3A_580, %dma_wait3A_581] : memref<512x64xf32, #tpu.memory_space<vmem>> -> memref<512x64xf32, #tpu.memory_space<vmem>>
    %dma_wait3A_583 = arith.constant 3584 : i32
    %dma_wait3A_584 = tpu.memref_slice %arg5[%dma_wait3A_583] : memref<6400xi32, #tpu.memory_space<vmem>> -> memref<512xi32, #tpu.memory_space<vmem>>
    %dma_wait3A_585 = arith.constant 0 : i32
    %dma_wait3A_586 = arith.constant 0 : i32
    %dma_wait3A_587 = tpu.memref_slice %arg3[%dma_wait3A_585, %dma_wait3A_586] : memref<100000x64xf32, #tpu.memory_space<hbm>> -> memref<100000x64xf32, #tpu.memory_space<hbm>>
    tpu.wait_indirect_dma semaphore(%arg13 : memref<!tpu.dma_semaphore, #tpu.memory_space<semaphore_mem>>) src(%dma_wait3A_587 : memref<100000x64xf32, #tpu.memory_space<hbm>>) dst(%dma_wait3A_582 : memref<512x64xf32, #tpu.memory_space<vmem>>)
    %dma_start3A_588 = arith.constant 0 : i32
    %dma_start3A_589 = arith.constant 0 : i32
    %dma_start3A_590 = tpu.memref_slice %arg7[%dma_start3A_588, %dma_start3A_589] : memref<512x64xf32, #tpu.memory_space<vmem>> -> memref<512x64xf32, #tpu.memory_space<vmem>>
    %dma_start3A_591 = arith.constant 0 : i32
    %dma_start3A_592 = arith.constant 0 : i32
    %dma_start3A_593 = tpu.memref_slice %arg11[%dma_start3A_591, %dma_start3A_592] : memref<2048x64xf32, #tpu.memory_space<vmem_shared>> -> memref<2048x64xf32, #tpu.memory_space<vmem_shared>>
    tpu.enqueue_indirect_dma source(%dma_start3A_590 : memref<512x64xf32, #tpu.memory_space<vmem>>) target(%dma_start3A_593 : memref<2048x64xf32, #tpu.memory_space<vmem_shared>>) offsets(%arg9 : memref<512xi32, #tpu.memory_space<vmem>>) semaphore(%arg16 : memref<!tpu.dma_semaphore, #tpu.memory_space<semaphore_mem>>) {add = true}
    %dma_wait3A_594 = arith.constant 0 : i32
    %dma_wait3A_595 = arith.constant 0 : i32
    %dma_wait3A_596 = tpu.memref_slice %arg7[%dma_wait3A_594, %dma_wait3A_595] : memref<512x64xf32, #tpu.memory_space<vmem>> -> memref<512x64xf32, #tpu.memory_space<vmem>>
    %dma_wait3A_597 = arith.constant 0 : i32
    %dma_wait3A_598 = arith.constant 0 : i32
    %dma_wait3A_599 = tpu.memref_slice %arg11[%dma_wait3A_597, %dma_wait3A_598] : memref<2048x64xf32, #tpu.memory_space<vmem_shared>> -> memref<2048x64xf32, #tpu.memory_space<vmem_shared>>
    tpu.wait_indirect_dma semaphore(%arg16 : memref<!tpu.dma_semaphore, #tpu.memory_space<semaphore_mem>>) src(%dma_wait3A_596 : memref<512x64xf32, #tpu.memory_space<vmem>>) dst(%dma_wait3A_599 : memref<2048x64xf32, #tpu.memory_space<vmem_shared>>)
    %dma_start3A_600 = arith.constant 0 : i32
    %dma_start3A_601 = arith.constant 0 : i32
    %dma_start3A_602 = tpu.memref_slice %arg7[%dma_start3A_600, %dma_start3A_601] : memref<512x64xf32, #tpu.memory_space<vmem>> -> memref<512x64xf32, #tpu.memory_space<vmem>>
    %dma_start3A_603 = arith.constant 5120 : i32
    %dma_start3A_604 = tpu.memref_slice %arg5[%dma_start3A_603] : memref<6400xi32, #tpu.memory_space<vmem>> -> memref<512xi32, #tpu.memory_space<vmem>>
    %dma_start3A_605 = arith.constant 0 : i32
    %dma_start3A_606 = arith.constant 0 : i32
    %dma_start3A_607 = tpu.memref_slice %arg3[%dma_start3A_605, %dma_start3A_606] : memref<100000x64xf32, #tpu.memory_space<hbm>> -> memref<100000x64xf32, #tpu.memory_space<hbm>>
    tpu.enqueue_indirect_dma source(%dma_start3A_607 : memref<100000x64xf32, #tpu.memory_space<hbm>>) target(%dma_start3A_602 : memref<512x64xf32, #tpu.memory_space<vmem>>) offsets(%dma_start3A_604 : memref<512xi32, #tpu.memory_space<vmem>>) semaphore(%arg13 : memref<!tpu.dma_semaphore, #tpu.memory_space<semaphore_mem>>)
    %dma_wait3A_608 = arith.constant 0 : i32
    %dma_wait3A_609 = arith.constant 0 : i32
    %dma_wait3A_610 = tpu.memref_slice %arg8[%dma_wait3A_608, %dma_wait3A_609] : memref<512x64xf32, #tpu.memory_space<vmem>> -> memref<512x64xf32, #tpu.memory_space<vmem>>
    %dma_wait3A_611 = arith.constant 4096 : i32
    %dma_wait3A_612 = tpu.memref_slice %arg5[%dma_wait3A_611] : memref<6400xi32, #tpu.memory_space<vmem>> -> memref<512xi32, #tpu.memory_space<vmem>>
    %dma_wait3A_613 = arith.constant 0 : i32
    %dma_wait3A_614 = arith.constant 0 : i32
    %dma_wait3A_615 = tpu.memref_slice %arg3[%dma_wait3A_613, %dma_wait3A_614] : memref<100000x64xf32, #tpu.memory_space<hbm>> -> memref<100000x64xf32, #tpu.memory_space<hbm>>
    tpu.wait_indirect_dma semaphore(%arg14 : memref<!tpu.dma_semaphore, #tpu.memory_space<semaphore_mem>>) src(%dma_wait3A_615 : memref<100000x64xf32, #tpu.memory_space<hbm>>) dst(%dma_wait3A_610 : memref<512x64xf32, #tpu.memory_space<vmem>>)
    %dma_start3A_616 = arith.constant 0 : i32
    %dma_start3A_617 = arith.constant 0 : i32
    %dma_start3A_618 = tpu.memref_slice %arg8[%dma_start3A_616, %dma_start3A_617] : memref<512x64xf32, #tpu.memory_space<vmem>> -> memref<512x64xf32, #tpu.memory_space<vmem>>
    %dma_start3A_619 = arith.constant 0 : i32
    %dma_start3A_620 = arith.constant 0 : i32
    %dma_start3A_621 = tpu.memref_slice %arg11[%dma_start3A_619, %dma_start3A_620] : memref<2048x64xf32, #tpu.memory_space<vmem_shared>> -> memref<2048x64xf32, #tpu.memory_space<vmem_shared>>
    tpu.enqueue_indirect_dma source(%dma_start3A_618 : memref<512x64xf32, #tpu.memory_space<vmem>>) target(%dma_start3A_621 : memref<2048x64xf32, #tpu.memory_space<vmem_shared>>) offsets(%arg9 : memref<512xi32, #tpu.memory_space<vmem>>) semaphore(%arg17 : memref<!tpu.dma_semaphore, #tpu.memory_space<semaphore_mem>>) {add = true}
    %dma_wait3A_622 = arith.constant 0 : i32
    %dma_wait3A_623 = arith.constant 0 : i32
    %dma_wait3A_624 = tpu.memref_slice %arg8[%dma_wait3A_622, %dma_wait3A_623] : memref<512x64xf32, #tpu.memory_space<vmem>> -> memref<512x64xf32, #tpu.memory_space<vmem>>
    %dma_wait3A_625 = arith.constant 0 : i32
    %dma_wait3A_626 = arith.constant 0 : i32
    %dma_wait3A_627 = tpu.memref_slice %arg11[%dma_wait3A_625, %dma_wait3A_626] : memref<2048x64xf32, #tpu.memory_space<vmem_shared>> -> memref<2048x64xf32, #tpu.memory_space<vmem_shared>>
    tpu.wait_indirect_dma semaphore(%arg17 : memref<!tpu.dma_semaphore, #tpu.memory_space<semaphore_mem>>) src(%dma_wait3A_624 : memref<512x64xf32, #tpu.memory_space<vmem>>) dst(%dma_wait3A_627 : memref<2048x64xf32, #tpu.memory_space<vmem_shared>>)
    %dma_start3A_628 = arith.constant 0 : i32
    %dma_start3A_629 = arith.constant 0 : i32
    %dma_start3A_630 = tpu.memref_slice %arg8[%dma_start3A_628, %dma_start3A_629] : memref<512x64xf32, #tpu.memory_space<vmem>> -> memref<512x64xf32, #tpu.memory_space<vmem>>
    %dma_start3A_631 = arith.constant 5632 : i32
    %dma_start3A_632 = tpu.memref_slice %arg5[%dma_start3A_631] : memref<6400xi32, #tpu.memory_space<vmem>> -> memref<512xi32, #tpu.memory_space<vmem>>
    %dma_start3A_633 = arith.constant 0 : i32
    %dma_start3A_634 = arith.constant 0 : i32
    %dma_start3A_635 = tpu.memref_slice %arg3[%dma_start3A_633, %dma_start3A_634] : memref<100000x64xf32, #tpu.memory_space<hbm>> -> memref<100000x64xf32, #tpu.memory_space<hbm>>
    tpu.enqueue_indirect_dma source(%dma_start3A_635 : memref<100000x64xf32, #tpu.memory_space<hbm>>) target(%dma_start3A_630 : memref<512x64xf32, #tpu.memory_space<vmem>>) offsets(%dma_start3A_632 : memref<512xi32, #tpu.memory_space<vmem>>) semaphore(%arg14 : memref<!tpu.dma_semaphore, #tpu.memory_space<semaphore_mem>>)
    %dma_wait3A_636 = arith.constant 0 : i32
    %dma_wait3A_637 = arith.constant 0 : i32
    %dma_wait3A_638 = tpu.memref_slice %arg6[%dma_wait3A_636, %dma_wait3A_637] : memref<512x64xf32, #tpu.memory_space<vmem>> -> memref<512x64xf32, #tpu.memory_space<vmem>>
    %dma_wait3A_639 = arith.constant 4608 : i32
    %dma_wait3A_640 = tpu.memref_slice %arg5[%dma_wait3A_639] : memref<6400xi32, #tpu.memory_space<vmem>> -> memref<512xi32, #tpu.memory_space<vmem>>
    %dma_wait3A_641 = arith.constant 0 : i32
    %dma_wait3A_642 = arith.constant 0 : i32
    %dma_wait3A_643 = tpu.memref_slice %arg3[%dma_wait3A_641, %dma_wait3A_642] : memref<100000x64xf32, #tpu.memory_space<hbm>> -> memref<100000x64xf32, #tpu.memory_space<hbm>>
    tpu.wait_indirect_dma semaphore(%arg12 : memref<!tpu.dma_semaphore, #tpu.memory_space<semaphore_mem>>) src(%dma_wait3A_643 : memref<100000x64xf32, #tpu.memory_space<hbm>>) dst(%dma_wait3A_638 : memref<512x64xf32, #tpu.memory_space<vmem>>)
    %dma_start3A_644 = arith.constant 0 : i32
    %dma_start3A_645 = arith.constant 0 : i32
    %dma_start3A_646 = tpu.memref_slice %arg6[%dma_start3A_644, %dma_start3A_645] : memref<512x64xf32, #tpu.memory_space<vmem>> -> memref<512x64xf32, #tpu.memory_space<vmem>>
    %dma_start3A_647 = arith.constant 0 : i32
    %dma_start3A_648 = arith.constant 0 : i32
    %dma_start3A_649 = tpu.memref_slice %arg11[%dma_start3A_647, %dma_start3A_648] : memref<2048x64xf32, #tpu.memory_space<vmem_shared>> -> memref<2048x64xf32, #tpu.memory_space<vmem_shared>>
    tpu.enqueue_indirect_dma source(%dma_start3A_646 : memref<512x64xf32, #tpu.memory_space<vmem>>) target(%dma_start3A_649 : memref<2048x64xf32, #tpu.memory_space<vmem_shared>>) offsets(%arg9 : memref<512xi32, #tpu.memory_space<vmem>>) semaphore(%arg15 : memref<!tpu.dma_semaphore, #tpu.memory_space<semaphore_mem>>) {add = true}
    %dma_wait3A_650 = arith.constant 0 : i32
    %dma_wait3A_651 = arith.constant 0 : i32
    %dma_wait3A_652 = tpu.memref_slice %arg6[%dma_wait3A_650, %dma_wait3A_651] : memref<512x64xf32, #tpu.memory_space<vmem>> -> memref<512x64xf32, #tpu.memory_space<vmem>>
    %dma_wait3A_653 = arith.constant 0 : i32
    %dma_wait3A_654 = arith.constant 0 : i32
    %dma_wait3A_655 = tpu.memref_slice %arg11[%dma_wait3A_653, %dma_wait3A_654] : memref<2048x64xf32, #tpu.memory_space<vmem_shared>> -> memref<2048x64xf32, #tpu.memory_space<vmem_shared>>
    tpu.wait_indirect_dma semaphore(%arg15 : memref<!tpu.dma_semaphore, #tpu.memory_space<semaphore_mem>>) src(%dma_wait3A_652 : memref<512x64xf32, #tpu.memory_space<vmem>>) dst(%dma_wait3A_655 : memref<2048x64xf32, #tpu.memory_space<vmem_shared>>)
    %dma_start3A_656 = arith.constant 0 : i32
    %dma_start3A_657 = arith.constant 0 : i32
    %dma_start3A_658 = tpu.memref_slice %arg6[%dma_start3A_656, %dma_start3A_657] : memref<512x64xf32, #tpu.memory_space<vmem>> -> memref<256x64xf32, #tpu.memory_space<vmem>>
    %dma_start3A_659 = arith.constant 6144 : i32
    %dma_start3A_660 = tpu.memref_slice %arg5[%dma_start3A_659] : memref<6400xi32, #tpu.memory_space<vmem>> -> memref<256xi32, #tpu.memory_space<vmem>>
    %dma_start3A_661 = arith.constant 0 : i32
    %dma_start3A_662 = arith.constant 0 : i32
    %dma_start3A_663 = tpu.memref_slice %arg3[%dma_start3A_661, %dma_start3A_662] : memref<100000x64xf32, #tpu.memory_space<hbm>> -> memref<100000x64xf32, #tpu.memory_space<hbm>>
    tpu.enqueue_indirect_dma source(%dma_start3A_663 : memref<100000x64xf32, #tpu.memory_space<hbm>>) target(%dma_start3A_658 : memref<256x64xf32, #tpu.memory_space<vmem>>) offsets(%dma_start3A_660 : memref<256xi32, #tpu.memory_space<vmem>>) semaphore(%arg12 : memref<!tpu.dma_semaphore, #tpu.memory_space<semaphore_mem>>)
    %dma_wait3A_664 = arith.constant 0 : i32
    %dma_wait3A_665 = arith.constant 0 : i32
    %dma_wait3A_666 = tpu.memref_slice %arg7[%dma_wait3A_664, %dma_wait3A_665] : memref<512x64xf32, #tpu.memory_space<vmem>> -> memref<512x64xf32, #tpu.memory_space<vmem>>
    %dma_wait3A_667 = arith.constant 5120 : i32
    %dma_wait3A_668 = tpu.memref_slice %arg5[%dma_wait3A_667] : memref<6400xi32, #tpu.memory_space<vmem>> -> memref<512xi32, #tpu.memory_space<vmem>>
    %dma_wait3A_669 = arith.constant 0 : i32
    %dma_wait3A_670 = arith.constant 0 : i32
    %dma_wait3A_671 = tpu.memref_slice %arg3[%dma_wait3A_669, %dma_wait3A_670] : memref<100000x64xf32, #tpu.memory_space<hbm>> -> memref<100000x64xf32, #tpu.memory_space<hbm>>
    tpu.wait_indirect_dma semaphore(%arg13 : memref<!tpu.dma_semaphore, #tpu.memory_space<semaphore_mem>>) src(%dma_wait3A_671 : memref<100000x64xf32, #tpu.memory_space<hbm>>) dst(%dma_wait3A_666 : memref<512x64xf32, #tpu.memory_space<vmem>>)
    %dma_start3A_672 = arith.constant 0 : i32
    %dma_start3A_673 = arith.constant 0 : i32
    %dma_start3A_674 = tpu.memref_slice %arg7[%dma_start3A_672, %dma_start3A_673] : memref<512x64xf32, #tpu.memory_space<vmem>> -> memref<512x64xf32, #tpu.memory_space<vmem>>
    %dma_start3A_675 = arith.constant 0 : i32
    %dma_start3A_676 = arith.constant 0 : i32
    %dma_start3A_677 = tpu.memref_slice %arg11[%dma_start3A_675, %dma_start3A_676] : memref<2048x64xf32, #tpu.memory_space<vmem_shared>> -> memref<2048x64xf32, #tpu.memory_space<vmem_shared>>
    tpu.enqueue_indirect_dma source(%dma_start3A_674 : memref<512x64xf32, #tpu.memory_space<vmem>>) target(%dma_start3A_677 : memref<2048x64xf32, #tpu.memory_space<vmem_shared>>) offsets(%arg9 : memref<512xi32, #tpu.memory_space<vmem>>) semaphore(%arg16 : memref<!tpu.dma_semaphore, #tpu.memory_space<semaphore_mem>>) {add = true}
    %dma_wait3A_678 = arith.constant 0 : i32
    %dma_wait3A_679 = arith.constant 0 : i32
    %dma_wait3A_680 = tpu.memref_slice %arg8[%dma_wait3A_678, %dma_wait3A_679] : memref<512x64xf32, #tpu.memory_space<vmem>> -> memref<512x64xf32, #tpu.memory_space<vmem>>
    %dma_wait3A_681 = arith.constant 5632 : i32
    %dma_wait3A_682 = tpu.memref_slice %arg5[%dma_wait3A_681] : memref<6400xi32, #tpu.memory_space<vmem>> -> memref<512xi32, #tpu.memory_space<vmem>>
    %dma_wait3A_683 = arith.constant 0 : i32
    %dma_wait3A_684 = arith.constant 0 : i32
    %dma_wait3A_685 = tpu.memref_slice %arg3[%dma_wait3A_683, %dma_wait3A_684] : memref<100000x64xf32, #tpu.memory_space<hbm>> -> memref<100000x64xf32, #tpu.memory_space<hbm>>
    tpu.wait_indirect_dma semaphore(%arg14 : memref<!tpu.dma_semaphore, #tpu.memory_space<semaphore_mem>>) src(%dma_wait3A_685 : memref<100000x64xf32, #tpu.memory_space<hbm>>) dst(%dma_wait3A_680 : memref<512x64xf32, #tpu.memory_space<vmem>>)
    %dma_start3A_686 = arith.constant 0 : i32
    %dma_start3A_687 = arith.constant 0 : i32
    %dma_start3A_688 = tpu.memref_slice %arg8[%dma_start3A_686, %dma_start3A_687] : memref<512x64xf32, #tpu.memory_space<vmem>> -> memref<512x64xf32, #tpu.memory_space<vmem>>
    %dma_start3A_689 = arith.constant 0 : i32
    %dma_start3A_690 = arith.constant 0 : i32
    %dma_start3A_691 = tpu.memref_slice %arg11[%dma_start3A_689, %dma_start3A_690] : memref<2048x64xf32, #tpu.memory_space<vmem_shared>> -> memref<2048x64xf32, #tpu.memory_space<vmem_shared>>
    tpu.enqueue_indirect_dma source(%dma_start3A_688 : memref<512x64xf32, #tpu.memory_space<vmem>>) target(%dma_start3A_691 : memref<2048x64xf32, #tpu.memory_space<vmem_shared>>) offsets(%arg9 : memref<512xi32, #tpu.memory_space<vmem>>) semaphore(%arg17 : memref<!tpu.dma_semaphore, #tpu.memory_space<semaphore_mem>>) {add = true}
    %dma_wait3A_692 = arith.constant 0 : i32
    %dma_wait3A_693 = arith.constant 0 : i32
    %dma_wait3A_694 = tpu.memref_slice %arg6[%dma_wait3A_692, %dma_wait3A_693] : memref<512x64xf32, #tpu.memory_space<vmem>> -> memref<256x64xf32, #tpu.memory_space<vmem>>
    %dma_wait3A_695 = arith.constant 6144 : i32
    %dma_wait3A_696 = tpu.memref_slice %arg5[%dma_wait3A_695] : memref<6400xi32, #tpu.memory_space<vmem>> -> memref<256xi32, #tpu.memory_space<vmem>>
    %dma_wait3A_697 = arith.constant 0 : i32
    %dma_wait3A_698 = arith.constant 0 : i32
    %dma_wait3A_699 = tpu.memref_slice %arg3[%dma_wait3A_697, %dma_wait3A_698] : memref<100000x64xf32, #tpu.memory_space<hbm>> -> memref<100000x64xf32, #tpu.memory_space<hbm>>
    tpu.wait_indirect_dma semaphore(%arg12 : memref<!tpu.dma_semaphore, #tpu.memory_space<semaphore_mem>>) src(%dma_wait3A_699 : memref<100000x64xf32, #tpu.memory_space<hbm>>) dst(%dma_wait3A_694 : memref<256x64xf32, #tpu.memory_space<vmem>>)
    %dma_start3A_700 = arith.constant 0 : i32
    %dma_start3A_701 = arith.constant 0 : i32
    %dma_start3A_702 = tpu.memref_slice %arg6[%dma_start3A_700, %dma_start3A_701] : memref<512x64xf32, #tpu.memory_space<vmem>> -> memref<256x64xf32, #tpu.memory_space<vmem>>
    %dma_start3A_703 = arith.constant 0 : i32
    %dma_start3A_704 = arith.constant 0 : i32
    %dma_start3A_705 = tpu.memref_slice %arg11[%dma_start3A_703, %dma_start3A_704] : memref<2048x64xf32, #tpu.memory_space<vmem_shared>> -> memref<2048x64xf32, #tpu.memory_space<vmem_shared>>
    tpu.enqueue_indirect_dma source(%dma_start3A_702 : memref<256x64xf32, #tpu.memory_space<vmem>>) target(%dma_start3A_705 : memref<2048x64xf32, #tpu.memory_space<vmem_shared>>) offsets(%arg10 : memref<256xi32, #tpu.memory_space<vmem>>) semaphore(%arg15 : memref<!tpu.dma_semaphore, #tpu.memory_space<semaphore_mem>>) {add = true}
    %dma_wait3A_706 = arith.constant 0 : i32
    %dma_wait3A_707 = arith.constant 0 : i32
    %dma_wait3A_708 = tpu.memref_slice %arg7[%dma_wait3A_706, %dma_wait3A_707] : memref<512x64xf32, #tpu.memory_space<vmem>> -> memref<512x64xf32, #tpu.memory_space<vmem>>
    %dma_wait3A_709 = arith.constant 0 : i32
    %dma_wait3A_710 = arith.constant 0 : i32
    %dma_wait3A_711 = tpu.memref_slice %arg11[%dma_wait3A_709, %dma_wait3A_710] : memref<2048x64xf32, #tpu.memory_space<vmem_shared>> -> memref<2048x64xf32, #tpu.memory_space<vmem_shared>>
    tpu.wait_indirect_dma semaphore(%arg16 : memref<!tpu.dma_semaphore, #tpu.memory_space<semaphore_mem>>) src(%dma_wait3A_708 : memref<512x64xf32, #tpu.memory_space<vmem>>) dst(%dma_wait3A_711 : memref<2048x64xf32, #tpu.memory_space<vmem_shared>>)
    %dma_wait3A_712 = arith.constant 0 : i32
    %dma_wait3A_713 = arith.constant 0 : i32
    %dma_wait3A_714 = tpu.memref_slice %arg8[%dma_wait3A_712, %dma_wait3A_713] : memref<512x64xf32, #tpu.memory_space<vmem>> -> memref<512x64xf32, #tpu.memory_space<vmem>>
    %dma_wait3A_715 = arith.constant 0 : i32
    %dma_wait3A_716 = arith.constant 0 : i32
    %dma_wait3A_717 = tpu.memref_slice %arg11[%dma_wait3A_715, %dma_wait3A_716] : memref<2048x64xf32, #tpu.memory_space<vmem_shared>> -> memref<2048x64xf32, #tpu.memory_space<vmem_shared>>
    tpu.wait_indirect_dma semaphore(%arg17 : memref<!tpu.dma_semaphore, #tpu.memory_space<semaphore_mem>>) src(%dma_wait3A_714 : memref<512x64xf32, #tpu.memory_space<vmem>>) dst(%dma_wait3A_717 : memref<2048x64xf32, #tpu.memory_space<vmem_shared>>)
    %dma_wait3A_718 = arith.constant 0 : i32
    %dma_wait3A_719 = arith.constant 0 : i32
    %dma_wait3A_720 = tpu.memref_slice %arg6[%dma_wait3A_718, %dma_wait3A_719] : memref<512x64xf32, #tpu.memory_space<vmem>> -> memref<256x64xf32, #tpu.memory_space<vmem>>
    %dma_wait3A_721 = arith.constant 0 : i32
    %dma_wait3A_722 = arith.constant 0 : i32
    %dma_wait3A_723 = tpu.memref_slice %arg11[%dma_wait3A_721, %dma_wait3A_722] : memref<2048x64xf32, #tpu.memory_space<vmem_shared>> -> memref<2048x64xf32, #tpu.memory_space<vmem_shared>>
    tpu.wait_indirect_dma semaphore(%arg15 : memref<!tpu.dma_semaphore, #tpu.memory_space<semaphore_mem>>) src(%dma_wait3A_720 : memref<256x64xf32, #tpu.memory_space<vmem>>) dst(%dma_wait3A_723 : memref<2048x64xf32, #tpu.memory_space<vmem_shared>>)
    "tpu.region"() ({
      %run_scoped3A = tpu.sem_alloc : memref<!tpu.dma_semaphore, #tpu.memory_space<semaphore_mem>>
      %dma_start3A_724 = arith.constant 0 : i32
      %dma_start3A_725 = tpu.memref_slice %arg4[%mul3A_2, %dma_start3A_724] : memref<4096x64xf32, #tpu.memory_space<hbm>> -> memref<128x64xf32, #tpu.memory_space<hbm>>
      %dma_start3A_726 = arith.constant 0 : i32
      %dma_start3A_727 = tpu.memref_slice %arg11[%mul3A_4, %dma_start3A_726] : memref<2048x64xf32, #tpu.memory_space<vmem_shared>> -> memref<128x64xf32, #tpu.memory_space<vmem_shared>>
      tpu.enqueue_dma source(%dma_start3A_727 : memref<128x64xf32, #tpu.memory_space<vmem_shared>>) target(%dma_start3A_725 : memref<128x64xf32, #tpu.memory_space<hbm>>) target_semaphore(%run_scoped3A : memref<!tpu.dma_semaphore, #tpu.memory_space<semaphore_mem>>)
      %dma_wait3A_728 = arith.constant 0 : i32
      %dma_wait3A_729 = tpu.memref_slice %arg4[%mul3A_2, %dma_wait3A_728] : memref<4096x64xf32, #tpu.memory_space<hbm>> -> memref<128x64xf32, #tpu.memory_space<hbm>>
      %dma_wait3A_730 = arith.constant 0 : i32
      %dma_wait3A_731 = tpu.memref_slice %arg11[%mul3A_4, %dma_wait3A_730] : memref<2048x64xf32, #tpu.memory_space<vmem_shared>> -> memref<128x64xf32, #tpu.memory_space<vmem_shared>>
      tpu.wait_dma2 semaphore(%run_scoped3A : memref<!tpu.dma_semaphore, #tpu.memory_space<semaphore_mem>>) src(%dma_wait3A_731 : memref<128x64xf32, #tpu.memory_space<vmem_shared>>) dst(%dma_wait3A_729 : memref<128x64xf32, #tpu.memory_space<hbm>>)
      tpu.yield
    }) : () -> ()
    return
  }
}

</mosaic_0001>

<sc_bundles>
// kernel: kernel.3.cloned.1.call-start
scs
__scs_entry_jumppad:
0x0: {  	(pc) =	sbr.rel $0x88, $3  }
0x1: {  	(tag) =	ssettag $0x0;
	lr =	simm.s32 $0x1  }
0x2: {  	[smem:$0x3F9F] =	sst lr;
	_ =	strace $0xD0000000  }
0x3: {  	_ = 	snop  }
0x4: {  	_ = 	snop  }
0x5: {  	_ = 	snop  }
0x6: {  	_ = 	snop  }
0x7: {  	_ = 	snop  }
__scs_overlays_trampoline_lowered:
0x8: {  	[smem:$0x3FAE] =	sst s0  }
0x9: {  	[smem:$0x3FAF] =	sst s1  }
0xa: {  	[smem:$0x3FB0] =	sst s2  }
0xb: {  	[smem:$0x3FB1] =	sst s3  }
0xc: {  	[smem:$0x3FB2] =	sst s4  }
0xd: {  	[smem:$0x3FB3] =	sst s5  }
0xe: {  	[smem:$0x3FB4] =	sst s6  }
0xf: {  	[smem:$0x3FB5] =	sst s7  }
0x10: {  	[smem:$0x3FB6] =	sst s8  }
0x11: {  	[smem:$0x3FB7] =	sst s9;
	s0 =	simm.s32 @!p0 $0x0  }
0x12: {  	s1 =	sld [smem:$0x3F9D];
	s0 =	simm.s32 @p0 $0x1  }
0x13: {  	[smem:$0x3FB8] =	sst s0;
	s0 =	simm.s32 @!p1 $0x0  }
0x14: {  	s2 =	sld [smem:$0x3F9C];
	s0 =	simm.s32 @p1 $0x1  }
0x15: {  	[smem:$0x3FB9] =	sst s0;
	s0 =	simm.s32 @!p2 $0x0  }
0x16: {  	s3 =	sld [smem:$0x3FDB];
	s0 =	simm.s32 @p2 $0x1  }
0x17: {  	s4 =	simm.s32 $0x1BF5;
	[smem:$0x3FBB] =	sst s0  }
0x18: {  	s0 =	sld [smem:$0x3F9E];
	_ =	swait.ge [sflag:s4], $0x0  }
0x19: {  	s7 =	sld [smem:$0x3F9F]  }
0x1a: {  	s8 =	sadd.s32 $0xFFFFE003, lr  }
0x1b: {  	s9 =	sadd.s32 $0xFFFFFEF7, lr;
	s5 =	simm.s32 $0xFFFFFFFF;
	p2 =	slt.u32 s8, $0xFFFFF086  }
0x1c: {  	p1 =	slt.u32 s9, $0xF7A;
	s5 =	simm.s32 @!p2 $0x0  }
0x1d: {  	s5 =	simm.s32 @p1 $0x1;
	p0 =	seq.s32 s7, s2  }
0x1e: {  	s7 =	smul.u32 @!p0 $0xF7A, s2;
	p2 =	seq.s32 @!p0 s5, $0x0  }
0x1f: {  	s9 =	smul.u32 $0xF7A, s1;
	s8 =	simm.s32 @!p0 $0x1BF5;
	p2 =	por !p2, p0  }
0x20: {  	[sflag:s8] =	ssyncset.s32 @!p0 $0xFFFFF086;
	s6 =	sadd.s32 @!p0 s3, s7;
	s7 =	simm.s32 @!p0 $0x108  }
0x21: {  	s3 =	sadd.s32 s3, s9;
	s6 =	sadd.s32 @!p0 $0x88, s6;
	s7 =	simm.s32 @p2 $0x1082  }
0x22: {  	[simem:s7], [sflag:s8] =	dma.local @!p0 [hbm:s6], $0xF7A  }
0x23: {  	s9 =	sor.u32 $0xD0000000, s2;
	s6 =	simm.s32 $0x108;
	_ =	swait.ge @!p0 [sflag:s8], $0x0  }
0x24: {  	s3 =	sadd.s32 $0x88, s3;
	s6 =	simm.s32 @!p1 $0x1082;
	[sflag:s4] =	ssyncset.s32 $0xFFFFF086  }
0x25: {  	[simem:s6], [sflag:s4] =	dma.local [hbm:s3], $0xF7A  }
0x26: {  	[smem:$0x3F9F] =	sst s1;
	(tag) =	ssettag s2;
	_ =	strace s9  }
0x27: {  	s1 =	sld [smem:$0x3FAF]  }
0x28: {  	s2 =	sld [smem:$0x3FB0]  }
0x29: {  	s4 =	sld [smem:$0x3FB2]  }
0x2a: {  	p0 =	seq.s32 s5, $0x0;
	s5 =	sld [smem:$0x3FB3]  }
0x2b: {  	s6 =	sld [smem:$0x3FB4]  }
0x2c: {  	s7 =	sld [smem:$0x3FB5]  }
0x2d: {  	s3 =	simm.s32 $0x108;
	s8 =	sld [smem:$0x3FB6]  }
0x2e: {  	s3 =	simm.s32 @!p0 $0x1082;
	s9 =	sld [smem:$0x3FB7]  }
0x2f: {  	lr =	sadd.s32 s0, s3;
	s0 =	sld [smem:$0x3FAE]  }
0x30: {  	s3 =	sld [smem:$0x3FB1]  }
0x31: {  	[smem:$0x3FBA] =	sst s10  }
0x32: {  	s10 =	sld [smem:$0x3FB8];
	_ =	sdelay $0x3  }
0x33: {  	p0 =	seq.s32 s10, $0x1;
	s10 =	sld [smem:$0x3FBA];
	_ =	sdelay $0x3  }
0x34: {  	[smem:$0x3FBA] =	sst s10  }
0x35: {  	s10 =	sld [smem:$0x3FB9];
	_ =	sdelay $0x3  }
0x36: {  	p1 =	seq.s32 s10, $0x1;
	s10 =	sld [smem:$0x3FBA];
	_ =	sdelay $0x3  }
0x37: {  	[smem:$0x3FBA] =	sst s10  }
0x38: {  	s10 =	sld [smem:$0x3FBB]  }
0x39: {  	_ = 	snop;
	(pc) =	sbr.ind lr, $3  }
0x3a: {  	_ = 	snop  }
0x3b: {  	_ = 	snop  }
0x3c: {  	p2 =	seq.s32 s10, $0x1;
	s10 =	sld [smem:$0x3FBA]  }
0x3d: {  	_ =	shalt  }
0x3e: {  	_ =	shalt  }
0x3f: {  	_ =	shalt  }
0x40: {  	_ =	shalt  }
0x41: {  	_ =	shalt  }
0x42: {  	_ =	shalt  }
0x43: {  	_ =	shalt  }
0x44: {  	_ =	shalt  }
0x45: {  	_ =	shalt  }
0x46: {  	_ =	shalt  }
0x47: {  	_ =	shalt  }
0x48: {  	_ =	shalt  }
0x49: {  	_ =	shalt  }
0x4a: {  	_ =	shalt  }
0x4b: {  	_ =	shalt  }
0x4c: {  	_ =	shalt  }
0x4d: {  	_ =	shalt  }
0x4e: {  	_ =	shalt  }
0x4f: {  	_ =	shalt  }
0x50: {  	_ =	shalt  }
0x51: {  	_ =	shalt  }
0x52: {  	_ =	shalt  }
0x53: {  	_ =	shalt  }
0x54: {  	_ =	shalt  }
0x55: {  	_ =	shalt  }
0x56: {  	_ =	shalt  }
0x57: {  	_ =	shalt  }
0x58: {  	_ =	shalt  }
0x59: {  	_ =	shalt  }
0x5a: {  	_ =	shalt  }
0x5b: {  	_ =	shalt  }
0x5c: {  	_ =	shalt  }
0x5d: {  	_ =	shalt  }
0x5e: {  	_ =	shalt  }
0x5f: {  	_ =	shalt  }
0x60: {  	_ =	shalt  }
0x61: {  	_ =	shalt  }
0x62: {  	_ =	shalt  }
0x63: {  	_ =	shalt  }
0x64: {  	_ =	shalt  }
0x65: {  	_ =	shalt  }
0x66: {  	_ =	shalt  }
0x67: {  	_ =	shalt  }
0x68: {  	_ =	shalt  }
0x69: {  	_ =	shalt  }
0x6a: {  	_ =	shalt  }
0x6b: {  	_ =	shalt  }
0x6c: {  	_ =	shalt  }
0x6d: {  	_ =	shalt  }
0x6e: {  	_ =	shalt  }
0x6f: {  	_ =	shalt  }
0x70: {  	_ =	shalt  }
0x71: {  	_ =	shalt  }
0x72: {  	_ =	shalt  }
0x73: {  	_ =	shalt  }
0x74: {  	_ =	shalt  }
0x75: {  	_ =	shalt  }
0x76: {  	_ =	shalt  }
0x77: {  	_ =	shalt  }
0x78: {  	_ =	shalt  }
0x79: {  	_ =	shalt  }
0x7a: {  	_ =	shalt  }
0x7b: {  	_ =	shalt  }
0x7c: {  	_ =	shalt  }
0x7d: {  	_ =	shalt  }
0x7e: {  	_ =	shalt  }
0x7f: {  	_ =	shalt  }
0x80: {  	_ =	shalt  }
0x81: {  	_ =	shalt  }
0x82: {  	_ =	shalt  }
0x83: {  	_ =	shalt  }
0x84: {  	_ =	shalt  }
0x85: {  	_ =	shalt  }
0x86: {  	_ =	shalt  }
0x87: {  	_ =	shalt  }
.Lfunc_end0:
.L_simem_size_0:
called_computation_lowered:
.L_overlay_start_0:
0x88: {  	s2 =	sld [smem:$0x3FD9]  }
0x89: {  	s3 =	sld [smem:$0x3FFE];
	_ =	sdelay $0x1  }
0x8a: {  	s1 =	srdreg.scid  }
0x8b: {  	s0 =	sand.u32 $0x1, s1  }
0x8c: {  	s17 =	sshll.u32 s0, $0xA;
	s2 =	sadd.s32 s3, s2  }
0x8d: {  	s2 =	sadd.s32 s2, s17  }
0x8e: {  	[smem:$0x3FC6] =	sst s2  }
0x8f: {  	_ = 	snop  }
0x90: {  	s2 =	sld [smem:$0x3FD0];
	(tm) =	ssettm $0x1  }
0x91: {  	s18 =	sld [smem:$0x3FFB];
	_ =	sdelay $0x3  }
0x92: {  	_ =	strace s18  }
0x93: {  	s3 =	sld [smem:$0x3FFC];
	_ =	sdelay $0x3  }
0x94: {  	_ =	strace s3  }
0x95: {  	s3 =	sld [smem:$0x3FFD];
	_ =	sdelay $0x3  }
0x96: {  	_ =	strace s3  }
0x97: {  	_ =	strace $0x8FFFFFFF  }
0x98: {  	s19 =	sld [smem:$0x3FDB];
	_ =	sdelay $0x1  }
0x99: {  	s4 =	simm.s32 $_scs_section_size  }
0x9a: {  	s5 =	simm.s32 $_size__tile_overlayer_lowered;
	s6 =	simm.s32 $_tile_overlayer_lowered  }
0x9b: {  	s22 =	simm.s32 $0x1BFF;
	s21 =	sshll.u32 s6, $0x1;
	s3 =	sadd.s32 s4, s19  }
0x9c: {  	s7 =	simm.s32 $0x0;
	s20 =	sshll.u32 s5, $0x1;
	s5 =	sadd.s32 s21, s3  }
0x9d: {  	[timem:s7], [sflag:s22] =	dma.local [hbm:s5], s20  }
0x9e: {  	_ =	swait.ge [sflag:s22], s20  }
0x9f: {  	s4 =	ssub.s32 $0x0, s20;
	[sflag:s22] =	ssyncset.done $0x0  }
0xa0: {  	[sflag:s22] =	ssyncadd.s32 s4;
	_ =	sdelay $0x1  }
0xa1: {  	s23 =	simm.s32 $0x1B8B  }
0xa2: {  	_ =	swait.ge [sflag:s23], $0x1  }
0xa3: {  	[sflag:s23] =	ssyncset.done $0x0  }
0xa4: {  	s25 =	simm.s32 $0x1B8E;
	s24 =	sld [smem:$0x3FFE];
	[sflag:s23] =	ssyncadd.s32 $0xFFFFFFFF  }
0xa5: {  	s26 =	simm.s32 $execute0_lowered;
	[smem:$0x3FD2] =	sst s25  }
0xa6: {  	s5 =	sshll.u32 s26, $0x1;
	_ =	strace $0x80000046;
	[dreg:$0x1] =	wrdreg $0xFFFFFFFF  }
0xa7: {  	s28 =	simm.s32 $_size_execute0_lowered;
	s3 =	sadd.s32 s3, s5;
	[dreg:$0x0] =	wrdreg $0x0  }
0xa8: {  	s5 =	sshll.u32 s28, $0x1;
	[dreg:$0x2] =	wrdreg s3  }
0xa9: {  	[dreg:$0x3] =	wrdreg s5  }
0xaa: {  	[dreg:$0x4] =	wrdreg $0xC0  }
0xab: {  	_ =	task [dreg:s7], $0x5FFFF  }
0xac: {  	[dreg:$0x1] =	wrdreg $0xFFFFFFFF  }
0xad: {  	[dreg:$0x0] =	wrdreg $0x60  }
0xae: {  	[dreg:$0x2] =	wrdreg s24  }
0xaf: {  	[dreg:$0x3] =	wrdreg s2  }
0xb0: {  	[dreg:$0x4] =	wrdreg $0x19C000  }
0xb1: {  	[dreg:$0x5] =	wrdreg $0x9  }
0xb2: {  	_ =	task.clear_ibuf [dreg:s7], $0x6FFFF;
	_ =	strace $0x90000046  }
0xb3: {  	s29 =	simm.s32 $0x9;
	_ =	strace $0x80000048  }
0xb4: {  	_ =	swait.ge [sflag:s29], $0x1  }
0xb5: {  	[sflag:s29] =	ssyncadd.s32 $0xFFFFFFFF  }
0xb6: {  	_ =	strace $0x90000048  }
0xb7: {  	_ =	sfence  }
0xb8: {  	s30 =	sld [smem:$0x0];
	_ =	sdelay $0x2  }
0xb9: {  	s31 =	sshll.u32 s1, $0xD;
	s1 =	sshrl.u32 s1, $0x2  }
0xba: {  	s3 =	sand.u32 $0x4000, s31;
	s1 =	sadd.s32 s1, s30  }
0xbb: {  	s0 =	sor.u32 s3, s0;
	s1 =	sshll.u32 s1, $0x11  }
0xbc: {  	s0 =	sor.u32 s1, s0  }
0xbd: {  	s0 =	sadd.s32 $0x8F2B, s0  }
0xbe: {  	[sflag:s0] =	ssyncadd.remote.s32 $0x1  }
0xbf: {  	_ =	sfence.sel $0xFFFF  }
0xc0: {  	[dreg:$0x0] =	wrdreg $0xFFFFFFFF;
	(pc) =	sbr.abs _section_cstart, $3  }
0xc1: {  	[dreg:$0x1] =	wrdreg $0xFFFFFFFF  }
0xc2: {  	_ =	task.clear_ibuf [dreg:s7], $0x2FFFF;
	_ =	strace $0x9FFFFFFF  }
0xc3: {  	(tm) =	ssettm $0x7FFFFFFF  }
tec
execute0_lowered:
.L_overlay_start_1:
0x0: {  	(tag) =	ssettag $0x1  }
0x1: {  	s1 =	rddreg [dreg:$0x0]  }
0x2: {  	s0 =	srdreg.scid;
	s7 =	rddreg [dreg:$0x1]  }
0x3: {  	s9 =	stileid.u32;
	s2 =	rddreg [dreg:$0x2];
	s10 =	simm.s32 $0x200  }
0x4: {  	s11 =	simm.s32 $0x1900;
	s12 =	simm.s32 $0x9900;
	s13 =	simm.s32 $0x11900  }
0x5: {  	s15 =	simm.s32 $0x1;
	s16 =	simm.s32 $0x19900;
	s17 =	simm.s32 $0x4  }
0x6: {  	s19 =	simm.s32 $0x2;
	s28 =	simm.s32 $0x1000;
	s29 =	simm.s32 $0x1200  }
0x7: {  	s31 =	simm.s32 $0x1600;
	s0 =	sand.u32 $0x1, s0;
	s26 =	sshll.u32 s9, $0x7  }
0x8: {  	s20 =	sshll.u32 s9, $0xD;
	s3 =	sshll.u32 s0, $0x4;
	s0 =	ssub.s32 $0x2, s0  }
0x9: {  	s14 =	sor.u32 $0x10, s26;
	s18 =	sor.u32 $0x20, s26;
	s21 =	sor.u32 $0x30, s26  }
0xa: {  	v7 =	vlaneseq.u32;
	s24 =	sor.u32 $0x40, s26;
	s30 =	sor.u32 $0x50, s26;
	s25 =	sor.u32 $0x60, s26  }
0xb: {  	s23 =	sor.u32 $0x70, s26;
	v0 =	vor.u32 s26, v7;
	s26 =	simm.s32 $0xE00;
	s6 =	sor.u32 s9, s3  }
0xc: {  	s3 =	simm.s32 $0x0;
	s8 =	sshrl.u32 s0, $0x1;
	s9 =	simm.s32 $0x7  }
0xd: {  	v1 =	vor.u32 s14, v7;
	v2 =	vor.u32 s18, v7;
	v5 =	vor.u32 s30, v7;
	s30 =	simm.s32 $0x1400;
	s14 =	simm.s32 $0x19B00;
	s18 =	simm.s32 $0x0  }
0xe: {  	s4 =	smul.u32 $0x320, s6;
	[smem:$0x7FF] =	sst s3;
	s0 =	ssub.s32 s0, s8  }
0xf: {  	s22 =	sshll.u32 s6, $0xA;
	s6 =	sadd.s32 s20, s2;
	s20 =	simm.s32 $0x5  }
0x10: {  	_ =	strace $0x80000047;
	[dreg:$0x4] =	wrdreg s23;
	s7 =	sadd.s32 s7, s22  }
0x11: {  	s8 =	smax.u32 s0, $0x1;
	s22 =	simm.s32 $0x3;
	s23 =	simm.s32 $0x6  }
0x12: {  	v8 =	vimm.f32 $0.0e+00;
	v6 =	vor.u32 s25, v7;
	s0 =	simm.s32 $0x1800;
	s5 =	sadd.s32 s4, s1;
	s25 =	rddreg [dreg:$0x4]  }
0x13: {  	v3 =	vor.u32 s21, v7;
	v4 =	vor.u32 s24, v7;
	s4 =	sadd.s32 $0x187000, s1;
	s1 =	simm.s32 $0x100;
	s5 =	sadd.s32 $0x600, s5;
	v7 =	vor.u32 s25, v7  }
.LBB2_1:
0x14: {  	[tilespmem:s3], [sflag:$0x7] =	stream.linear.gather [hbm4b:s5+s3], $0x1900, $0x38;
	[tilespmem:$0x1BC00] =	vst v63  }
0x15: {  	_ =	swait.ge [sflag:s9], $0x1900  }
0x16: {  	[sflag:s9] =	ssyncset.done $0x0  }
0x17: {  	[sflag:s9] =	ssyncadd.s32 $0xFFFFE700  }
0x18: {  	[tilespmem:$0x19900] =	vst v0  }
0x19: {  	[tilespmem:$0x19B00] =	vst v0  }
0x1a: {  	[tilespmem:$0x19910] =	vst v1  }
0x1b: {  	[tilespmem:$0x19B10] =	vst v1  }
0x1c: {  	[tilespmem:$0x19920] =	vst v2  }
0x1d: {  	[tilespmem:$0x19B20] =	vst v2  }
0x1e: {  	[tilespmem:$0x19930] =	vst v3  }
0x1f: {  	[tilespmem:$0x19B30] =	vst v3  }
0x20: {  	[tilespmem:$0x19940] =	vst v4  }
0x21: {  	[tilespmem:$0x19B40] =	vst v4  }
0x22: {  	[tilespmem:$0x19950] =	vst v5  }
0x23: {  	[tilespmem:$0x19B50] =	vst v5  }
0x24: {  	[tilespmem:$0x19960] =	vst v6  }
0x25: {  	[tilespmem:$0x19B60] =	vst v6  }
0x26: {  	[tilespmem:$0x19970] =	vst v7  }
0x27: {  	[tilespmem:$0x19B70] =	vst v7  }
0x28: {  	[tilespmem:$0x19980] =	vst v0  }
0x29: {  	[tilespmem:$0x19B80] =	vst v0  }
0x2a: {  	[tilespmem:$0x19990] =	vst v1  }
0x2b: {  	[tilespmem:$0x19B90] =	vst v1  }
0x2c: {  	[tilespmem:$0x199A0] =	vst v2  }
0x2d: {  	[tilespmem:$0x19BA0] =	vst v2  }
0x2e: {  	[tilespmem:$0x199B0] =	vst v3  }
0x2f: {  	[tilespmem:$0x19BB0] =	vst v3  }
0x30: {  	[tilespmem:$0x199C0] =	vst v4  }
0x31: {  	[tilespmem:$0x19BC0] =	vst v4  }
0x32: {  	[tilespmem:$0x199D0] =	vst v5  }
0x33: {  	[tilespmem:$0x19BD0] =	vst v5  }
0x34: {  	[tilespmem:$0x199E0] =	vst v6  }
0x35: {  	[tilespmem:$0x19BE0] =	vst v6  }
0x36: {  	[tilespmem:$0x199F0] =	vst v7  }
0x37: {  	[tilespmem:$0x19BF0] =	vst v7  }
0x38: {  	[tilespmem:$0x19A00] =	vst v0  }
0x39: {  	[tilespmem:$0x19A10] =	vst v1  }
0x3a: {  	[tilespmem:$0x19A20] =	vst v2  }
0x3b: {  	[tilespmem:$0x19A30] =	vst v3  }
0x3c: {  	[tilespmem:$0x19A40] =	vst v4  }
0x3d: {  	[tilespmem:$0x19A50] =	vst v5  }
0x3e: {  	[tilespmem:$0x19A60] =	vst v6  }
0x3f: {  	[tilespmem:$0x19A70] =	vst v7  }
0x40: {  	[tilespmem:$0x19A80] =	vst v0  }
0x41: {  	[tilespmem:$0x19A90] =	vst v1  }
0x42: {  	[tilespmem:$0x19AA0] =	vst v2  }
0x43: {  	[tilespmem:$0x19AB0] =	vst v3  }
0x44: {  	[tilespmem:$0x19AC0] =	vst v4  }
0x45: {  	[tilespmem:$0x19AD0] =	vst v5  }
0x46: {  	[tilespmem:$0x19AE0] =	vst v6  }
0x47: {  	[tilespmem:$0x19AF0] =	vst v7  }
0x48: {  	[tilespmem:s11], [sflag:$0x1] =	stream.indirect.gather [hbm4b:s4+s10], $0x40, s3, s10, $0xb8;
	[tilespmem:$0x1BC00] =	vst v63  }
0x49: {  	s24 =	simm.s32 $0x100;
	s21 =	simm.s32 $0x0  }
0x4a: {  	[tilespmem:s12], [sflag:$0x2] =	stream.indirect.gather [hbm4b:s4+s10], $0x40, s10, s10, $0xb8;
	[tilespmem:$0x1BC00] =	vst v63  }
.LBB2_2:
0x4b: {  	p0 =	sne.s32 s24, $0x7F00;
	[tilespmem:s21+$0x11930] =	vst v8;
	s25 =	smov.u32 s24;
	s24 =	sadd.s32 $0x100, s24  }
.Ltmp0:
0x4c: {  	[tilespmem:s21+$0x11920] =	vst v8;
	(pc) =	sbr.rel @p0 .LBB2_2-.Ltmp0, $3  }
0x4d: {  	[tilespmem:s21+$0x11900] =	vst v8  }
0x4e: {  	[tilespmem:s21+$0x11910] =	vst v8;
	_ =	sdelay $0x1  }
0x4f: {  	s21 =	sshra.s32 s25, $0x2  }
0x50: {  	[tilespmem:s21+$0x11930] =	vst v8  }
0x51: {  	[tilespmem:s21+$0x11920] =	vst v8  }
0x52: {  	[tilespmem:s21+$0x11900] =	vst v8  }
0x53: {  	[tilespmem:s21+$0x11910] =	vst v8  }
0x54: {  	[spmem:s6] =	stream.linear.scatter [tilespmem:s13], [sflag:$0x7], $0x2000, $0x38;
	[tilespmem:$0x1BC00] =	vst v63  }
0x55: {  	_ =	swait.ge [sflag:s9], $0x2000  }
0x56: {  	[sflag:s9] =	ssyncset.done $0x0  }
0x57: {  	s24 =	simm.s32 $0x400;
	[sflag:s9] =	ssyncadd.s32 $0xFFFFE000  }
0x58: {  	[tilespmem:s13], [sflag:$0x3] =	stream.indirect.gather [hbm4b:s4+s10], $0x40, s24, s10, $0xb8;
	[tilespmem:$0x1BC00] =	vst v63  }
0x59: {  	_ =	swait.ge [sflag:s15], $0x8000  }
0x5a: {  	[sflag:s15] =	ssyncset.done $0x0  }
0x5b: {  	[sflag:s15] =	ssyncadd.s32 $0xFFFF8000  }
0x5c: {  	[spmem:s2] =	stream.indirect.scatter.add.f32 [tilespmem:s11], [sflag:$0x4], $0x40, s16, s10, $0xb8;
	[tilespmem:$0x1BC00] =	vst v63  }
0x5d: {  	_ =	swait.ge [sflag:s17], $0x8000  }
0x5e: {  	[sflag:s17] =	ssyncset.done $0x0  }
0x5f: {  	s25 =	simm.s32 $0x600;
	[sflag:s17] =	ssyncadd.s32 $0xFFFF8000  }
0x60: {  	[tilespmem:s11], [sflag:$0x1] =	stream.indirect.gather [hbm4b:s4+s10], $0x40, s25, s10, $0xb8;
	[tilespmem:$0x1BC00] =	vst v63  }
0x61: {  	_ =	swait.ge [sflag:s19], $0x8000  }
0x62: {  	[sflag:s19] =	ssyncset.done $0x0  }
0x63: {  	[sflag:s19] =	ssyncadd.s32 $0xFFFF8000  }
0x64: {  	[spmem:s2] =	stream.indirect.scatter.add.f32 [tilespmem:s12], [sflag:$0x5], $0x40, s16, s10, $0xb8;
	[tilespmem:$0x1BC00] =	vst v63  }
0x65: {  	_ =	swait.ge [sflag:s20], $0x8000  }
0x66: {  	[sflag:s20] =	ssyncset.done $0x0  }
0x67: {  	s24 =	simm.s32 $0x800;
	[sflag:s20] =	ssyncadd.s32 $0xFFFF8000  }
0x68: {  	[tilespmem:s12], [sflag:$0x2] =	stream.indirect.gather [hbm4b:s4+s10], $0x40, s24, s10, $0xb8;
	[tilespmem:$0x1BC00] =	vst v63  }
0x69: {  	_ =	swait.ge [sflag:s22], $0x8000  }
0x6a: {  	[sflag:s22] =	ssyncset.done $0x0  }
0x6b: {  	[sflag:s22] =	ssyncadd.s32 $0xFFFF8000  }
0x6c: {  	[spmem:s2] =	stream.indirect.scatter.add.f32 [tilespmem:s13], [sflag:$0x6], $0x40, s16, s10, $0xb8;
	[tilespmem:$0x1BC00] =	vst v63  }
0x6d: {  	_ =	swait.ge [sflag:s23], $0x8000  }
0x6e: {  	[sflag:s23] =	ssyncset.done $0x0  }
0x6f: {  	s25 =	simm.s32 $0xA00;
	[sflag:s23] =	ssyncadd.s32 $0xFFFF8000  }
0x70: {  	[tilespmem:s13], [sflag:$0x3] =	stream.indirect.gather [hbm4b:s4+s10], $0x40, s25, s10, $0xb8;
	[tilespmem:$0x1BC00] =	vst v63  }
0x71: {  	_ =	swait.ge [sflag:s15], $0x8000  }
0x72: {  	[sflag:s15] =	ssyncset.done $0x0  }
0x73: {  	[sflag:s15] =	ssyncadd.s32 $0xFFFF8000  }
0x74: {  	[spmem:s2] =	stream.indirect.scatter.add.f32 [tilespmem:s11], [sflag:$0x4], $0x40, s16, s10, $0xb8;
	[tilespmem:$0x1BC00] =	vst v63  }
0x75: {  	_ =	swait.ge [sflag:s17], $0x8000  }
0x76: {  	[sflag:s17] =	ssyncset.done $0x0  }
0x77: {  	s24 =	simm.s32 $0xC00;
	[sflag:s17] =	ssyncadd.s32 $0xFFFF8000  }
0x78: {  	[tilespmem:s11], [sflag:$0x1] =	stream.indirect.gather [hbm4b:s4+s10], $0x40, s24, s10, $0xb8;
	[tilespmem:$0x1BC00] =	vst v63  }
0x79: {  	_ =	swait.ge [sflag:s19], $0x8000  }
0x7a: {  	[sflag:s19] =	ssyncset.done $0x0  }
0x7b: {  	[sflag:s19] =	ssyncadd.s32 $0xFFFF8000  }
0x7c: {  	[spmem:s2] =	stream.indirect.scatter.add.f32 [tilespmem:s12], [sflag:$0x5], $0x40, s16, s10, $0xb8;
	[tilespmem:$0x1BC00] =	vst v63  }
0x7d: {  	_ =	swait.ge [sflag:s20], $0x8000  }
0x7e: {  	[sflag:s20] =	ssyncset.done $0x0  }
0x7f: {  	[sflag:s20] =	ssyncadd.s32 $0xFFFF8000  }
0x80: {  	[tilespmem:s12], [sflag:$0x2] =	stream.indirect.gather [hbm4b:s4+s10], $0x40, s26, s10, $0xb8;
	[tilespmem:$0x1BC00] =	vst v63  }
0x81: {  	_ =	swait.ge [sflag:s22], $0x8000  }
0x82: {  	[sflag:s22] =	ssyncset.done $0x0  }
0x83: {  	[sflag:s22] =	ssyncadd.s32 $0xFFFF8000  }
0x84: {  	[spmem:s2] =	stream.indirect.scatter.add.f32 [tilespmem:s13], [sflag:$0x6], $0x40, s16, s10, $0xb8;
	[tilespmem:$0x1BC00] =	vst v63  }
0x85: {  	_ =	swait.ge [sflag:s23], $0x8000  }
0x86: {  	[sflag:s23] =	ssyncset.done $0x0  }
0x87: {  	[sflag:s23] =	ssyncadd.s32 $0xFFFF8000  }
0x88: {  	[tilespmem:s13], [sflag:$0x3] =	stream.indirect.gather [hbm4b:s4+s10], $0x40, s28, s10, $0xb8;
	[tilespmem:$0x1BC00] =	vst v63  }
0x89: {  	_ =	swait.ge [sflag:s15], $0x8000  }
0x8a: {  	[sflag:s15] =	ssyncset.done $0x0  }
0x8b: {  	[sflag:s15] =	ssyncadd.s32 $0xFFFF8000  }
0x8c: {  	[spmem:s2] =	stream.indirect.scatter.add.f32 [tilespmem:s11], [sflag:$0x4], $0x40, s16, s10, $0xb8;
	[tilespmem:$0x1BC00] =	vst v63  }
0x8d: {  	_ =	swait.ge [sflag:s17], $0x8000  }
0x8e: {  	[sflag:s17] =	ssyncset.done $0x0  }
0x8f: {  	[sflag:s17] =	ssyncadd.s32 $0xFFFF8000  }
0x90: {  	[tilespmem:s11], [sflag:$0x1] =	stream.indirect.gather [hbm4b:s4+s10], $0x40, s29, s10, $0xb8;
	[tilespmem:$0x1BC00] =	vst v63  }
0x91: {  	_ =	swait.ge [sflag:s19], $0x8000  }
0x92: {  	[sflag:s19] =	ssyncset.done $0x0  }
0x93: {  	[sflag:s19] =	ssyncadd.s32 $0xFFFF8000  }
0x94: {  	[spmem:s2] =	stream.indirect.scatter.add.f32 [tilespmem:s12], [sflag:$0x5], $0x40, s16, s10, $0xb8;
	[tilespmem:$0x1BC00] =	vst v63  }
0x95: {  	_ =	swait.ge [sflag:s20], $0x8000  }
0x96: {  	[sflag:s20] =	ssyncset.done $0x0  }
0x97: {  	[sflag:s20] =	ssyncadd.s32 $0xFFFF8000  }
0x98: {  	[tilespmem:s12], [sflag:$0x2] =	stream.indirect.gather [hbm4b:s4+s10], $0x40, s30, s10, $0xb8;
	[tilespmem:$0x1BC00] =	vst v63  }
0x99: {  	_ =	swait.ge [sflag:s22], $0x8000  }
0x9a: {  	[sflag:s22] =	ssyncset.done $0x0  }
0x9b: {  	[sflag:s22] =	ssyncadd.s32 $0xFFFF8000  }
0x9c: {  	[spmem:s2] =	stream.indirect.scatter.add.f32 [tilespmem:s13], [sflag:$0x6], $0x40, s16, s10, $0xb8;
	[tilespmem:$0x1BC00] =	vst v63  }
0x9d: {  	_ =	swait.ge [sflag:s23], $0x8000  }
0x9e: {  	[sflag:s23] =	ssyncset.done $0x0  }
0x9f: {  	[sflag:s23] =	ssyncadd.s32 $0xFFFF8000  }
0xa0: {  	[tilespmem:s13], [sflag:$0x3] =	stream.indirect.gather [hbm4b:s4+s10], $0x40, s31, s10, $0xb8;
	[tilespmem:$0x1BC00] =	vst v63  }
0xa1: {  	_ =	swait.ge [sflag:s15], $0x8000  }
0xa2: {  	[sflag:s15] =	ssyncset.done $0x0  }
0xa3: {  	[sflag:s15] =	ssyncadd.s32 $0xFFFF8000  }
0xa4: {  	[spmem:s2] =	stream.indirect.scatter.add.f32 [tilespmem:s11], [sflag:$0x4], $0x40, s16, s10, $0xb8;
	[tilespmem:$0x1BC00] =	vst v63  }
0xa5: {  	_ =	swait.ge [sflag:s17], $0x8000  }
0xa6: {  	[sflag:s17] =	ssyncset.done $0x0  }
0xa7: {  	[sflag:s17] =	ssyncadd.s32 $0xFFFF8000  }
0xa8: {  	[tilespmem:s11], [sflag:$0x1] =	stream.indirect.gather [hbm4b:s4+s1], $0x40, s0, s1, $0xb8;
	[tilespmem:$0x1BC00] =	vst v63  }
0xa9: {  	_ =	swait.ge [sflag:s19], $0x8000  }
0xaa: {  	[sflag:s19] =	ssyncset.done $0x0  }
0xab: {  	[sflag:s19] =	ssyncadd.s32 $0xFFFF8000  }
0xac: {  	[spmem:s2] =	stream.indirect.scatter.add.f32 [tilespmem:s12], [sflag:$0x5], $0x40, s16, s10, $0xb8;
	[tilespmem:$0x1BC00] =	vst v63  }
0xad: {  	_ =	swait.ge [sflag:s22], $0x8000  }
0xae: {  	[sflag:s22] =	ssyncset.done $0x0  }
0xaf: {  	[sflag:s22] =	ssyncadd.s32 $0xFFFF8000  }
0xb0: {  	[spmem:s2] =	stream.indirect.scatter.add.f32 [tilespmem:s13], [sflag:$0x6], $0x40, s16, s10, $0xb8;
	[tilespmem:$0x1BC00] =	vst v63  }
0xb1: {  	_ =	swait.ge [sflag:s15], $0x4000  }
0xb2: {  	[sflag:s15] =	ssyncset.done $0x0  }
0xb3: {  	[sflag:s15] =	ssyncadd.s32 $0xFFFFC000  }
0xb4: {  	[spmem:s2] =	stream.indirect.scatter.add.f32 [tilespmem:s11], [sflag:$0x4], $0x40, s14, s1, $0xb8;
	[tilespmem:$0x1BC00] =	vst v63  }
0xb5: {  	_ =	swait.ge [sflag:s20], $0x8000  }
0xb6: {  	[sflag:s20] =	ssyncset.done $0x0  }
0xb7: {  	[sflag:s20] =	ssyncadd.s32 $0xFFFF8000  }
0xb8: {  	_ =	swait.ge [sflag:s23], $0x8000  }
0xb9: {  	[sflag:s23] =	ssyncset.done $0x0  }
0xba: {  	s25 =	stileid.u32;
	[sflag:s23] =	ssyncadd.s32 $0xFFFF8000  }
0xbb: {  	s18 =	sadd.s32 $0x1, s18;
	s21 =	sshll.u32 s25, $0x6;
	_ =	swait.ge [sflag:s17], $0x4000  }
0xbc: {  	p0 =	sne.s32 s18, s8;
	s21 =	sor.u32 $0x1C07, s21;
	[sflag:s17] =	ssyncset.done $0x0  }
.Ltmp1:
0xbd: {  	s24 =	sshrl.u32 s6, $0x3;
	[sflag:s17] =	ssyncadd.s32 $0xFFFFC000;
	(pc) =	sbr.rel @p0 .LBB2_1-.Ltmp1, $4  }
0xbe: {  	[hbm:s7], [sflag:s21] =	dma.local [spmem:s24], $0x400  }
0xbf: {  	_ =	swait.ge [sflag:s9], $0x400  }
0xc0: {  	[sflag:s9] =	ssyncset.done $0x0  }
0xc1: {  	[sflag:s9] =	ssyncadd.s32 $0xFFFFFC00  }
0xc2: {  	_ =	sfence.sel $0x180000  }
0xc3: {  	[bflag:$0x0] =	sbarrier.arrive $0xFFFF  }
0xc4: {  	_ =	strace $0x90000047  }
0xc5: {  	s0 =	stileid.u32;
	[bflag:$0x2] =	sbarrier.arrive $0xFFFF  }
0xc6: {  	p0 =	sne.s32 s0, $0x0;
	s0 =	rddreg [dreg:$0x3]  }
0xc7: {  	s0 =	sadd.s32 @!p0 $0x100000, s0  }
0xc8: {  	[sflag:s0] =	ssyncadd.tile.s32 @!p0 $0x1;
	_ =	shalt  }
.Lfunc_end2:
_tile_overlayer_lowered:
.L_overlay_start_2:
0xc9: {  	(tag) =	ssettag $0x2  }
0xca: {  	s0 =	rddreg [dreg:$0x0];
	s2 =	stileid.u32  }
0xcb: {  	s1 =	rddreg [dreg:$0x1];
	p0 =	sne.s32 s2, $0x0  }
0xcc: {  	s3 =	rddreg [dreg:$0x2];
	[bflag:$0x3] =	sbarrier.arrive $0xFFFF;
	s2 =	simm.s32 @!p0 $0x1C07  }
0xcd: {  	[timem:s3], [sflag:s2] =	dma.local @!p0 [hbm:s0], s1  }
0xce: {  	s0 =	simm.s32 @!p0 $0x7  }
0xcf: {  	_ =	swait.ge @!p0 [sflag:s0], s1  }
0xd0: {  	s1 =	ssub.s32 @!p0 $0x0, s1;
	[sflag:s0] =	ssyncset.done @!p0 $0x0  }
0xd1: {  	[sflag:s0] =	ssyncadd.s32 @!p0 s1  }
0xd2: {  	[bflag:$0x3] =	sbarrier.arrive $0xFFFF  }
0xd3: {  	_ =	shalt  }

</sc_bundles>
